<compile_context>
chip_gen: v7x
topology: tpu7x:2x2x1
jax: 0.10.2.dev20260603
libtpu: 0.0.44.dev20260713+nightly
codegen_flags: <defaults>
</compile_context>

<pallas_src>
import functools

import jax
import jax.numpy as jnp
from jax import lax
from jax.experimental import pallas as pl
from jax.experimental.pallas import tpu as pltpu
from jax.experimental.pallas import tpu_sc as plsc

N = 1048576
NUM_EVENT = 100000
NUM_STATION = 64
REG = 0.1
VEL0 = 6.0
VEL1 = 6.0 / 1.73

NC = 2
NS = 16
NW = NC * NS
PER_W = N // NW
CHUNK = 2048
G_ROWS = CHUNK // 128
N_CHUNKS = PER_W // CHUNK

TCR = 1024
TC_GRID = N // 128 // TCR


def _sc_body(ei2d, si2d, ev_tab, st_tab,
             out_ev, out_st,
             ei_v, si_v, ev4_v, st4_v, sp_ev, sp_st, gsem):
    sid = lax.axis_index("s")
    wid = lax.axis_index("c") * NS + sid
    wbase = wid * PER_W

    @pl.when(sid == 0)
    def _():
        pltpu.sync_copy(ev_tab, sp_ev)
        pltpu.sync_copy(st_tab, sp_st)

    plsc.subcore_barrier()

    def chunk_body(g, _):
        base = pl.multiple_of(wbase + g * CHUNK, CHUNK)
        row = pl.multiple_of(base // 128, 8)

        pltpu.sync_copy(ei2d.at[pl.ds(row, G_ROWS)], ei_v)
        pltpu.sync_copy(si2d.at[pl.ds(row, G_ROWS)], si_v)

        def fire(j, _):
            sl = pl.ds(j * 128, 128)
            pltpu.make_async_copy(sp_ev.at[ei_v.at[j]], ev4_v.at[sl],
                                  gsem).start()
            pltpu.make_async_copy(sp_st.at[si_v.at[j]], st4_v.at[sl],
                                  gsem).start()
            return 0

        def drain(j, _):
            sl = pl.ds(j * 128, 128)
            pltpu.make_async_copy(sp_ev.at[ei_v.at[j]], ev4_v.at[sl],
                                  gsem).wait()
            pltpu.make_async_copy(sp_st.at[si_v.at[j]], st4_v.at[sl],
                                  gsem).wait()
            return 0

        lax.fori_loop(0, G_ROWS, fire, 0)
        lax.fori_loop(0, G_ROWS, drain, 0)

        pltpu.sync_copy(ev4_v, out_ev.at[pl.ds(base, CHUNK)])
        pltpu.sync_copy(st4_v, out_st.at[pl.ds(base, CHUNK)])
        return 0

    lax.fori_loop(0, N_CHUNKS, chunk_body, 0)


@functools.partial(
    pl.kernel,
    mesh=plsc.VectorSubcoreMesh(core_axis_name="c", subcore_axis_name="s"),
    out_type=[
        jax.ShapeDtypeStruct((N, 8), jnp.float32),
        jax.ShapeDtypeStruct((N, 8), jnp.float32),
    ],
    scratch_types=[
        pltpu.VMEM((G_ROWS, 128), jnp.int32),
        pltpu.VMEM((G_ROWS, 128), jnp.int32),
        pltpu.VMEM((CHUNK, 8), jnp.float32),
        pltpu.VMEM((CHUNK, 8), jnp.float32),
        pltpu.VMEM_SHARED((NUM_EVENT, 8), jnp.float32),
        pltpu.VMEM_SHARED((2 * NUM_STATION, 8), jnp.float32),
        pltpu.SemaphoreType.DMA,
    ],
    compiler_params=pltpu.CompilerParams(use_tc_tiling_on_sc=False),
)
def _gather_sc(ei2d, si2d, ev_tab, st_tab, out_ev, out_st, *scratch):
    _sc_body(ei2d, si2d, ev_tab, st_tab, out_ev, out_st, *scratch)


def _tc_body(evr_ref, str_ref, m1_ref, ptm_ref, pw_ref,
             pred_ref, lp_ref, acc_ref, sel_ref):
    i = pl.program_id(0)

    @pl.when(i == 0)
    def _():
        jj = lax.broadcasted_iota(jnp.int32, (1024, 256), 0)
        kk = lax.broadcasted_iota(jnp.int32, (1024, 256), 1)
        ss = ((jj // 8 == kk % 128) & (jj % 8 < 3) & (kk < 128))
        s3 = ((jj // 8 == kk % 128) & (jj % 8 == 3) & (kk >= 128))
        sel_ref[...] = (ss | s3).astype(jnp.float32)

    selsum = sel_ref[...][:, 0:128]
    sel3 = sel_ref[...][:, 128:256]
    evr = evr_ref[...]
    str_ = str_ref[...]

    diff = evr - str_
    d2 = jnp.dot(diff * diff, selsum,
                 preferred_element_type=jnp.float32)
    etdt = jnp.dot(evr + str_, sel3,
                   preferred_element_type=jnp.float32)
    dtv = jnp.dot(str_, sel3, preferred_element_type=jnp.float32)

    m1 = m1_ref[...]
    ptm = ptm_ref[...]
    w = pw_ref[...]

    dist = jnp.sqrt(d2)
    m0 = 1.0 - m1
    vel = VEL0 + (VEL1 - VEL0) * m1
    tt = dist / vel
    pred = etdt + tt
    pred_ref[...] = pred

    resid = pred - ptm
    ar = jnp.abs(resid)
    hub = jnp.where(ar < 1.0, 0.5 * resid * resid, ar - 0.5)
    contrib = hub * w + REG * jnp.abs(dtv)

    @pl.when(i == 0)
    def _():
        acc_ref[...] = jnp.zeros((4 * TCR, 128), jnp.float32)

    acc_ref[pl.ds(0, TCR), :] += contrib * m0
    acc_ref[pl.ds(TCR, TCR), :] += contrib * m1
    acc_ref[pl.ds(2 * TCR, TCR), :] += m0
    acc_ref[pl.ds(3 * TCR, TCR), :] += m1

    @pl.when(i == TC_GRID - 1)
    def _():
        lp_ref[...] = acc_ref[...]


_tc_call = pl.pallas_call(
    _tc_body,
    grid=(TC_GRID,),
    in_specs=[
        pl.BlockSpec((TCR, 1024), lambda i: (i, 0)),
        pl.BlockSpec((TCR, 1024), lambda i: (i, 0)),
        pl.BlockSpec((TCR, 128), lambda i: (i, 0)),
        pl.BlockSpec((TCR, 128), lambda i: (i, 0)),
        pl.BlockSpec((TCR, 128), lambda i: (i, 0)),
    ],
    out_specs=[
        pl.BlockSpec((TCR, 128), lambda i: (i, 0)),
        pl.BlockSpec((4 * TCR, 128), lambda i: (0, 0)),
    ],
    out_shape=[
        jax.ShapeDtypeStruct((N // 128, 128), jnp.float32),
        jax.ShapeDtypeStruct((4 * TCR, 128), jnp.float32),
    ],
    scratch_shapes=[pltpu.VMEM((4 * TCR, 128), jnp.float32),
                    pltpu.VMEM((1024, 256), jnp.float32)],
)


def kernel(station_index, event_index, phase_type, phase_time, phase_weight,
           event_loc_w, event_time_w, station_loc_w, station_dt_w):
    st_i = station_index.astype(jnp.int32)
    ph_t = phase_type.astype(jnp.int32)
    ei2d = event_index.astype(jnp.int32).reshape(N // 128, 128)
    si2d = (st_i + st_i + ph_t).reshape(N // 128, 128)

    ev_tab = jnp.concatenate(
        [event_loc_w, event_time_w,
         jnp.zeros((NUM_EVENT, 4), jnp.float32)], axis=1)
    st_tab = jnp.concatenate(
        [jnp.repeat(station_loc_w, 2, axis=0),
         station_dt_w.reshape(2 * NUM_STATION, 1),
         jnp.zeros((2 * NUM_STATION, 4), jnp.float32)], axis=1)

    rows_ev, rows_st = _gather_sc(ei2d, si2d, ev_tab, st_tab)

    m1_2 = ph_t.astype(jnp.float32).reshape(N // 128, 128)
    ptm2 = phase_time.reshape(N // 128, 128)
    pw2 = phase_weight.reshape(N // 128, 128)
    evr2 = rows_ev.reshape(N // 128, 1024)
    str2 = rows_st.reshape(N // 128, 1024)

    pred2, lp = _tc_call(evr2, str2, m1_2, ptm2, pw2)

    l0 = jnp.sum(lp[0:TCR])
    l1 = jnp.sum(lp[TCR:2 * TCR])
    c0 = jnp.maximum(jnp.sum(lp[2 * TCR:3 * TCR]), 1.0)
    c1 = jnp.maximum(jnp.sum(lp[3 * TCR:4 * TCR]), 1.0)
    loss = l0 / c0 + l1 / c1
    return pred2.reshape(N, 1), loss

# --- scband reference (transcript-rebuilt; emitter-appended) ---
"""Pipeline reference for scband-travel-time-11725260718521 (READ-ONLY COPY).

The authoritative reference and input builder live on the scoring server;
editing this copy changes nothing except your own understanding.
"""

import jax, jax.numpy as jnp
import numpy as np

NUM_EVENT = 100000
NUM_STATION = 64
N = 1048576
REG = 0.1
VEL = (6.0, 6.0 / 1.73)


def _huber(x):
    ax = jnp.abs(x)
    return jnp.where(ax < 1.0, 0.5 * x * x, ax - 0.5)


def setup_inputs(seed: int = 0):
    key = jax.random.key(seed)
    ks = jax.random.split(key, 9)
    station_index = jax.random.randint(ks[0], (N,), 0, NUM_STATION)
    event_index = jax.random.randint(ks[1], (N,), 0, NUM_EVENT)
    phase_type = jax.random.randint(ks[2], (N,), 0, 2)
    phase_time = jax.random.normal(ks[3], (N, 1), dtype=jnp.float32)
    phase_weight = jax.random.uniform(ks[4], (N, 1), dtype=jnp.float32)
    event_loc_w = jax.random.normal(ks[5], (NUM_EVENT, 3), dtype=jnp.float32)
    event_time_w = jax.random.normal(ks[6], (NUM_EVENT, 1), dtype=jnp.float32)
    station_loc_w = jnp.zeros((NUM_STATION, 3), dtype=jnp.float32)
    station_dt_w = jnp.zeros((NUM_STATION, 2), dtype=jnp.float32)
    return {
        "station_index": station_index,
        "event_index": event_index,
        "phase_type": phase_type,
        "phase_time": phase_time,
        "phase_weight": phase_weight,
        "event_loc_w": event_loc_w,
        "event_time_w": event_time_w,
        "station_loc_w": station_loc_w,
        "station_dt_w": station_dt_w,
    }


def reference(station_index, event_index, phase_type, phase_time, phase_weight, event_loc_w, event_time_w, station_loc_w, station_dt_w):
    # Embedding gathers (SparseCore-friendly jnp.take)
    station_loc = jnp.take(station_loc_w, station_index, axis=0)
    station_dt_all = jnp.take(station_dt_w, station_index, axis=0)
    event_loc = jnp.take(event_loc_w, event_index, axis=0)
    event_time = jnp.take(event_time_w, event_index, axis=0)

    pred_time = jnp.zeros((phase_type.shape[0], 1), dtype=jnp.float32)
    loss = jnp.float32(0.0)
    for t in (0, 1):
        mask = (phase_type == t)[:, None]
        mf = mask.astype(jnp.float32)
        cnt = jnp.maximum(jnp.sum(mf), 1.0)
        station_dt = station_dt_all[:, t][:, None]
        dist = jnp.linalg.norm(event_loc - station_loc, axis=-1, keepdims=True)
        tt = dist / VEL[t]
        t_pred = event_time + tt + station_dt
        pred_time = jnp.where(mask, t_pred, pred_time)
        resid = (tt + station_dt) - (phase_time - event_time)
        loss = loss + jnp.sum(_huber(resid) * phase_weight * mf) / cnt
        loss = loss + REG * jnp.sum(jnp.abs(station_dt) * mf) / cnt
    return pred_time, loss

if __name__ == "__main__":
    import jax
    _d = setup_inputs()
    print(jax.jit(kernel)(*tuple(_d.values())))

</pallas_src>

<mosaic_0001>
#map = affine_map<(d0, d1) -> (0, 0)>
module attributes {stable_mosaic.version = 14 : i64} {
  func.func @_gather_sc(%arg0: i32, %arg1: i32, %arg2: memref<8192x128xi32, #tpu.memory_space<hbm>>, %arg3: memref<8192x128xi32, #tpu.memory_space<hbm>>, %arg4: memref<100000x8xf32, #tpu.memory_space<hbm>>, %arg5: memref<128x8xf32, #tpu.memory_space<hbm>>, %arg6: memref<1048576x8xf32, #tpu.memory_space<hbm>>, %arg7: memref<1048576x8xf32, #tpu.memory_space<hbm>>, %arg8: memref<16x128xi32, #tpu.memory_space<vmem>>, %arg9: memref<16x128xi32, #tpu.memory_space<vmem>>, %arg10: memref<2048x8xf32, #tpu.memory_space<vmem>>, %arg11: memref<2048x8xf32, #tpu.memory_space<vmem>>, %arg12: memref<100000x8xf32, #tpu.memory_space<vmem_shared>>, %arg13: memref<128x8xf32, #tpu.memory_space<vmem_shared>>, %arg14: memref<!tpu.dma_semaphore, #tpu.memory_space<semaphore_mem>>) attributes {dimension_semantics = [#tpu.dimension_semantics<core_parallel>, #tpu.dimension_semantics<subcore_parallel>], iteration_bounds = array<i64: 2, 16>, scalar_prefetch = 0 : i64, scratch_operands = 7 : i64, tpu.core_type = #tpu.core_type<sc_vector_subcore>, window_params = [{transform_indices = #map}, {transform_indices = #map}, {transform_indices = #map}, {transform_indices = #map}, {transform_indices = #map}, {transform_indices = #map}]} {
    %mul3A = arith.constant 16 : i32
    %mul3A_0 = arith.muli %arg0, %mul3A : i32
    %add3A = arith.addi %mul3A_0, %arg1 : i32
    %mul3A_1 = arith.constant 32768 : i32
    %mul3A_2 = arith.muli %add3A, %mul3A_1 : i32
    %eq3A = arith.constant 0 : i32
    %eq3A_3 = arith.cmpi eq, %arg1, %eq3A : i32
    %convert_element_type3A = arith.extui %eq3A_3 : i1 to i32
    %cond3A = arith.constant 0 : i32
    %cond3A_4 = arith.cmpi ne, %convert_element_type3A, %cond3A : i32
    scf.if %cond3A_4 {
      "tpu.region"() ({
        %run_scoped3A = tpu.sem_alloc : memref<!tpu.dma_semaphore, #tpu.memory_space<semaphore_mem>>
        tpu.enqueue_dma source(%arg4 : memref<100000x8xf32, #tpu.memory_space<hbm>>) target(%arg12 : memref<100000x8xf32, #tpu.memory_space<vmem_shared>>) target_semaphore(%run_scoped3A : memref<!tpu.dma_semaphore, #tpu.memory_space<semaphore_mem>>)
        tpu.wait_dma2 semaphore(%run_scoped3A : memref<!tpu.dma_semaphore, #tpu.memory_space<semaphore_mem>>) src(%arg4 : memref<100000x8xf32, #tpu.memory_space<hbm>>) dst(%arg12 : memref<100000x8xf32, #tpu.memory_space<vmem_shared>>)
        tpu.yield
      }) : () -> ()
      "tpu.region"() ({
        %run_scoped3A = tpu.sem_alloc : memref<!tpu.dma_semaphore, #tpu.memory_space<semaphore_mem>>
        tpu.enqueue_dma source(%arg5 : memref<128x8xf32, #tpu.memory_space<hbm>>) target(%arg13 : memref<128x8xf32, #tpu.memory_space<vmem_shared>>) target_semaphore(%run_scoped3A : memref<!tpu.dma_semaphore, #tpu.memory_space<semaphore_mem>>)
        tpu.wait_dma2 semaphore(%run_scoped3A : memref<!tpu.dma_semaphore, #tpu.memory_space<semaphore_mem>>) src(%arg5 : memref<128x8xf32, #tpu.memory_space<hbm>>) dst(%arg13 : memref<128x8xf32, #tpu.memory_space<vmem_shared>>)
        tpu.yield
      }) : () -> ()
    } else {
    }
    %barrier3A = arith.constant 0 : index
    tpu.barrier barrier_id(%barrier3A)
    %scan3A = arith.constant 0 : i32
    %scan3A_5 = arith.constant 0 : i32
    %scan3A_6 = arith.constant 16 : i32
    %scan3A_7 = arith.addi %scan3A_5, %scan3A_6 : i32
    %scan3A_8 = arith.constant 1 : i32
    %scan3A_9 = scf.for %scan3A_11 = %scan3A_5 to %scan3A_7 step %scan3A_8 iter_args(%scan3A_12 = %scan3A) -> (i32)  : i32 {
      %mul3A_13 = arith.constant 2048 : i32
      %mul3A_14 = arith.muli %scan3A_11, %mul3A_13 : i32
      %add3A_15 = arith.addi %mul3A_2, %mul3A_14 : i32
      %multiple_of3A = tpu.assume_multiple %add3A_15, 2048 : i32
      %jit3A = arith.constant 128 : i32
      %div3A = arith.divsi %multiple_of3A, %jit3A : i32
      %sign3A = arith.constant 0 : i32
      %sign3A_16 = arith.cmpi sgt, %multiple_of3A, %sign3A : i32
      %sign3A_17 = arith.extui %sign3A_16 : i1 to i32
      %sign3A_18 = arith.constant 0 : i32
      %sign3A_19 = arith.cmpi slt, %multiple_of3A, %sign3A_18 : i32
      %sign3A_20 = arith.extui %sign3A_19 : i1 to i32
      %sign3A_21 = arith.subi %sign3A_17, %sign3A_20 : i32
      %sign3A_22 = arith.constant 0 : i32
      %sign3A_23 = arith.cmpi sgt, %jit3A, %sign3A_22 : i32
      %sign3A_24 = arith.extui %sign3A_23 : i1 to i32
      %sign3A_25 = arith.constant 0 : i32
      %sign3A_26 = arith.cmpi slt, %jit3A, %sign3A_25 : i32
      %sign3A_27 = arith.extui %sign3A_26 : i1 to i32
      %sign3A_28 = arith.subi %sign3A_24, %sign3A_27 : i32
      %ne3A = arith.cmpi ne, %sign3A_21, %sign3A_28 : i32
      %rem3A = arith.remsi %multiple_of3A, %jit3A : i32
      %ne3A_29 = arith.constant 0 : i32
      %ne3A_30 = arith.cmpi ne, %rem3A, %ne3A_29 : i32
      %and3A = arith.andi %ne3A, %ne3A_30 : i1
      %sub3A = arith.constant 1 : i32
      %sub3A_31 = arith.subi %div3A, %sub3A : i32
      %select_n3A = arith.select %and3A, %sub3A_31, %div3A : i32
      %multiple_of3A_32 = tpu.assume_multiple %select_n3A, 8 : i32
      "tpu.region"() ({
        %run_scoped3A = tpu.sem_alloc : memref<!tpu.dma_semaphore, #tpu.memory_space<semaphore_mem>>
        %dma_start3A = arith.constant 0 : i32
        %dma_start3A_48 = tpu.memref_slice %arg2[%multiple_of3A_32, %dma_start3A] : memref<8192x128xi32, #tpu.memory_space<hbm>> -> memref<16x128xi32, #tpu.memory_space<hbm>>
        %dma_start3A_49 = arith.constant 0 : i32
        %dma_start3A_50 = tpu.memref_slice %arg2[%multiple_of3A_32, %dma_start3A_49] : memref<8192x128xi32, #tpu.memory_space<hbm>> -> memref<16x128xi32, #tpu.memory_space<hbm>>
        tpu.enqueue_dma source(%dma_start3A_50 : memref<16x128xi32, #tpu.memory_space<hbm>>) target(%arg8 : memref<16x128xi32, #tpu.memory_space<vmem>>) target_semaphore(%run_scoped3A : memref<!tpu.dma_semaphore, #tpu.memory_space<semaphore_mem>>)
        %dma_wait3A = arith.constant 0 : i32
        %dma_wait3A_51 = tpu.memref_slice %arg2[%multiple_of3A_32, %dma_wait3A] : memref<8192x128xi32, #tpu.memory_space<hbm>> -> memref<16x128xi32, #tpu.memory_space<hbm>>
        %dma_wait3A_52 = arith.constant 0 : i32
        %dma_wait3A_53 = tpu.memref_slice %arg2[%multiple_of3A_32, %dma_wait3A_52] : memref<8192x128xi32, #tpu.memory_space<hbm>> -> memref<16x128xi32, #tpu.memory_space<hbm>>
        tpu.wait_dma2 semaphore(%run_scoped3A : memref<!tpu.dma_semaphore, #tpu.memory_space<semaphore_mem>>) src(%dma_wait3A_53 : memref<16x128xi32, #tpu.memory_space<hbm>>) dst(%arg8 : memref<16x128xi32, #tpu.memory_space<vmem>>)
        tpu.yield
      }) : () -> ()
      "tpu.region"() ({
        %run_scoped3A = tpu.sem_alloc : memref<!tpu.dma_semaphore, #tpu.memory_space<semaphore_mem>>
        %dma_start3A = arith.constant 0 : i32
        %dma_start3A_48 = tpu.memref_slice %arg3[%multiple_of3A_32, %dma_start3A] : memref<8192x128xi32, #tpu.memory_space<hbm>> -> memref<16x128xi32, #tpu.memory_space<hbm>>
        %dma_start3A_49 = arith.constant 0 : i32
        %dma_start3A_50 = tpu.memref_slice %arg3[%multiple_of3A_32, %dma_start3A_49] : memref<8192x128xi32, #tpu.memory_space<hbm>> -> memref<16x128xi32, #tpu.memory_space<hbm>>
        tpu.enqueue_dma source(%dma_start3A_50 : memref<16x128xi32, #tpu.memory_space<hbm>>) target(%arg9 : memref<16x128xi32, #tpu.memory_space<vmem>>) target_semaphore(%run_scoped3A : memref<!tpu.dma_semaphore, #tpu.memory_space<semaphore_mem>>)
        %dma_wait3A = arith.constant 0 : i32
        %dma_wait3A_51 = tpu.memref_slice %arg3[%multiple_of3A_32, %dma_wait3A] : memref<8192x128xi32, #tpu.memory_space<hbm>> -> memref<16x128xi32, #tpu.memory_space<hbm>>
        %dma_wait3A_52 = arith.constant 0 : i32
        %dma_wait3A_53 = tpu.memref_slice %arg3[%multiple_of3A_32, %dma_wait3A_52] : memref<8192x128xi32, #tpu.memory_space<hbm>> -> memref<16x128xi32, #tpu.memory_space<hbm>>
        tpu.wait_dma2 semaphore(%run_scoped3A : memref<!tpu.dma_semaphore, #tpu.memory_space<semaphore_mem>>) src(%dma_wait3A_53 : memref<16x128xi32, #tpu.memory_space<hbm>>) dst(%arg9 : memref<16x128xi32, #tpu.memory_space<vmem>>)
        tpu.yield
      }) : () -> ()
      %scan3A_33 = arith.constant 0 : i32
      %scan3A_34 = arith.constant 0 : i32
      %scan3A_35 = arith.constant 16 : i32
      %scan3A_36 = arith.addi %scan3A_34, %scan3A_35 : i32
      %scan3A_37 = arith.constant 1 : i32
      %scan3A_38 = scf.for %scan3A_48 = %scan3A_34 to %scan3A_36 step %scan3A_37 iter_args(%scan3A_49 = %scan3A_33) -> (i32)  : i32 {
        %mul3A_50 = arith.constant 128 : i32
        %mul3A_51 = arith.muli %scan3A_48, %mul3A_50 : i32
        %dma_start3A = arith.constant 0 : i32
        %dma_start3A_52 = tpu.memref_slice %arg10[%mul3A_51, %dma_start3A] : memref<2048x8xf32, #tpu.memory_space<vmem>> -> memref<128x8xf32, #tpu.memory_space<vmem>>
        %dma_start3A_53 = arith.constant 0 : i32
        %dma_start3A_54 = tpu.memref_slice %arg8[%scan3A_48, %dma_start3A_53] : memref<16x128xi32, #tpu.memory_space<vmem>> -> memref<1x128xi32, #tpu.memory_space<vmem>>
        %dma_start3A_55 = tpu.memref_squeeze %dma_start3A_54 : memref<1x128xi32, #tpu.memory_space<vmem>> -> memref<128xi32, #tpu.memory_space<vmem>>
        %dma_start3A_56 = arith.constant 0 : i32
        %dma_start3A_57 = arith.constant 0 : i32
        %dma_start3A_58 = tpu.memref_slice %arg12[%dma_start3A_56, %dma_start3A_57] : memref<100000x8xf32, #tpu.memory_space<vmem_shared>> -> memref<100000x8xf32, #tpu.memory_space<vmem_shared>>
        tpu.enqueue_indirect_dma source(%dma_start3A_58 : memref<100000x8xf32, #tpu.memory_space<vmem_shared>>) target(%dma_start3A_52 : memref<128x8xf32, #tpu.memory_space<vmem>>) offsets(%dma_start3A_55 : memref<128xi32, #tpu.memory_space<vmem>>) semaphore(%arg14 : memref<!tpu.dma_semaphore, #tpu.memory_space<semaphore_mem>>)
        %dma_start3A_59 = arith.constant 0 : i32
        %dma_start3A_60 = tpu.memref_slice %arg11[%mul3A_51, %dma_start3A_59] : memref<2048x8xf32, #tpu.memory_space<vmem>> -> memref<128x8xf32, #tpu.memory_space<vmem>>
        %dma_start3A_61 = arith.constant 0 : i32
        %dma_start3A_62 = tpu.memref_slice %arg9[%scan3A_48, %dma_start3A_61] : memref<16x128xi32, #tpu.memory_space<vmem>> -> memref<1x128xi32, #tpu.memory_space<vmem>>
        %dma_start3A_63 = tpu.memref_squeeze %dma_start3A_62 : memref<1x128xi32, #tpu.memory_space<vmem>> -> memref<128xi32, #tpu.memory_space<vmem>>
        %dma_start3A_64 = arith.constant 0 : i32
        %dma_start3A_65 = arith.constant 0 : i32
        %dma_start3A_66 = tpu.memref_slice %arg13[%dma_start3A_64, %dma_start3A_65] : memref<128x8xf32, #tpu.memory_space<vmem_shared>> -> memref<128x8xf32, #tpu.memory_space<vmem_shared>>
        tpu.enqueue_indirect_dma source(%dma_start3A_66 : memref<128x8xf32, #tpu.memory_space<vmem_shared>>) target(%dma_start3A_60 : memref<128x8xf32, #tpu.memory_space<vmem>>) offsets(%dma_start3A_63 : memref<128xi32, #tpu.memory_space<vmem>>) semaphore(%arg14 : memref<!tpu.dma_semaphore, #tpu.memory_space<semaphore_mem>>)
        %scan3A_67 = arith.constant 0 : i32
        scf.yield %scan3A_67 : i32
      }
      %scan3A_39 = arith.constant 16 : i32
      %scan3A_40 = arith.constant 0 : i32
      %scan3A_41 = arith.constant 0 : i32
      %scan3A_42 = arith.constant 16 : i32
      %scan3A_43 = arith.addi %scan3A_41, %scan3A_42 : i32
      %scan3A_44 = arith.constant 1 : i32
      %scan3A_45 = scf.for %scan3A_48 = %scan3A_41 to %scan3A_43 step %scan3A_44 iter_args(%scan3A_49 = %scan3A_40) -> (i32)  : i32 {
        %mul3A_50 = arith.constant 128 : i32
        %mul3A_51 = arith.muli %scan3A_48, %mul3A_50 : i32
        %dma_wait3A = arith.constant 0 : i32
        %dma_wait3A_52 = tpu.memref_slice %arg10[%mul3A_51, %dma_wait3A] : memref<2048x8xf32, #tpu.memory_space<vmem>> -> memref<128x8xf32, #tpu.memory_space<vmem>>
        %dma_wait3A_53 = arith.constant 0 : i32
        %dma_wait3A_54 = tpu.memref_slice %arg8[%scan3A_48, %dma_wait3A_53] : memref<16x128xi32, #tpu.memory_space<vmem>> -> memref<1x128xi32, #tpu.memory_space<vmem>>
        %dma_wait3A_55 = tpu.memref_squeeze %dma_wait3A_54 : memref<1x128xi32, #tpu.memory_space<vmem>> -> memref<128xi32, #tpu.memory_space<vmem>>
        %dma_wait3A_56 = arith.constant 0 : i32
        %dma_wait3A_57 = arith.constant 0 : i32
        %dma_wait3A_58 = tpu.memref_slice %arg12[%dma_wait3A_56, %dma_wait3A_57] : memref<100000x8xf32, #tpu.memory_space<vmem_shared>> -> memref<100000x8xf32, #tpu.memory_space<vmem_shared>>
        tpu.wait_indirect_dma semaphore(%arg14 : memref<!tpu.dma_semaphore, #tpu.memory_space<semaphore_mem>>) src(%dma_wait3A_58 : memref<100000x8xf32, #tpu.memory_space<vmem_shared>>) dst(%dma_wait3A_52 : memref<128x8xf32, #tpu.memory_space<vmem>>)
        %dma_wait3A_59 = arith.constant 0 : i32
        %dma_wait3A_60 = tpu.memref_slice %arg11[%mul3A_51, %dma_wait3A_59] : memref<2048x8xf32, #tpu.memory_space<vmem>> -> memref<128x8xf32, #tpu.memory_space<vmem>>
        %dma_wait3A_61 = arith.constant 0 : i32
        %dma_wait3A_62 = tpu.memref_slice %arg9[%scan3A_48, %dma_wait3A_61] : memref<16x128xi32, #tpu.memory_space<vmem>> -> memref<1x128xi32, #tpu.memory_space<vmem>>
        %dma_wait3A_63 = tpu.memref_squeeze %dma_wait3A_62 : memref<1x128xi32, #tpu.memory_space<vmem>> -> memref<128xi32, #tpu.memory_space<vmem>>
        %dma_wait3A_64 = arith.constant 0 : i32
        %dma_wait3A_65 = arith.constant 0 : i32
        %dma_wait3A_66 = tpu.memref_slice %arg13[%dma_wait3A_64, %dma_wait3A_65] : memref<128x8xf32, #tpu.memory_space<vmem_shared>> -> memref<128x8xf32, #tpu.memory_space<vmem_shared>>
        tpu.wait_indirect_dma semaphore(%arg14 : memref<!tpu.dma_semaphore, #tpu.memory_space<semaphore_mem>>) src(%dma_wait3A_66 : memref<128x8xf32, #tpu.memory_space<vmem_shared>>) dst(%dma_wait3A_60 : memref<128x8xf32, #tpu.memory_space<vmem>>)
        %scan3A_67 = arith.constant 0 : i32
        scf.yield %scan3A_67 : i32
      }
      %scan3A_46 = arith.constant 16 : i32
      "tpu.region"() ({
        %run_scoped3A = tpu.sem_alloc : memref<!tpu.dma_semaphore, #tpu.memory_space<semaphore_mem>>
        %dma_start3A = arith.constant 0 : i32
        %dma_start3A_48 = tpu.memref_slice %arg6[%multiple_of3A, %dma_start3A] : memref<1048576x8xf32, #tpu.memory_space<hbm>> -> memref<2048x8xf32, #tpu.memory_space<hbm>>
        %dma_start3A_49 = arith.constant 0 : i32
        %dma_start3A_50 = tpu.memref_slice %arg6[%multiple_of3A, %dma_start3A_49] : memref<1048576x8xf32, #tpu.memory_space<hbm>> -> memref<2048x8xf32, #tpu.memory_space<hbm>>
        tpu.enqueue_dma source(%arg10 : memref<2048x8xf32, #tpu.memory_space<vmem>>) target(%dma_start3A_50 : memref<2048x8xf32, #tpu.memory_space<hbm>>) target_semaphore(%run_scoped3A : memref<!tpu.dma_semaphore, #tpu.memory_space<semaphore_mem>>)
        %dma_wait3A = arith.constant 0 : i32
        %dma_wait3A_51 = tpu.memref_slice %arg6[%multiple_of3A, %dma_wait3A] : memref<1048576x8xf32, #tpu.memory_space<hbm>> -> memref<2048x8xf32, #tpu.memory_space<hbm>>
        %dma_wait3A_52 = arith.constant 0 : i32
        %dma_wait3A_53 = tpu.memref_slice %arg6[%multiple_of3A, %dma_wait3A_52] : memref<1048576x8xf32, #tpu.memory_space<hbm>> -> memref<2048x8xf32, #tpu.memory_space<hbm>>
        tpu.wait_dma2 semaphore(%run_scoped3A : memref<!tpu.dma_semaphore, #tpu.memory_space<semaphore_mem>>) src(%arg10 : memref<2048x8xf32, #tpu.memory_space<vmem>>) dst(%dma_wait3A_53 : memref<2048x8xf32, #tpu.memory_space<hbm>>)
        tpu.yield
      }) : () -> ()
      "tpu.region"() ({
        %run_scoped3A = tpu.sem_alloc : memref<!tpu.dma_semaphore, #tpu.memory_space<semaphore_mem>>
        %dma_start3A = arith.constant 0 : i32
        %dma_start3A_48 = tpu.memref_slice %arg7[%multiple_of3A, %dma_start3A] : memref<1048576x8xf32, #tpu.memory_space<hbm>> -> memref<2048x8xf32, #tpu.memory_space<hbm>>
        %dma_start3A_49 = arith.constant 0 : i32
        %dma_start3A_50 = tpu.memref_slice %arg7[%multiple_of3A, %dma_start3A_49] : memref<1048576x8xf32, #tpu.memory_space<hbm>> -> memref<2048x8xf32, #tpu.memory_space<hbm>>
        tpu.enqueue_dma source(%arg11 : memref<2048x8xf32, #tpu.memory_space<vmem>>) target(%dma_start3A_50 : memref<2048x8xf32, #tpu.memory_space<hbm>>) target_semaphore(%run_scoped3A : memref<!tpu.dma_semaphore, #tpu.memory_space<semaphore_mem>>)
        %dma_wait3A = arith.constant 0 : i32
        %dma_wait3A_51 = tpu.memref_slice %arg7[%multiple_of3A, %dma_wait3A] : memref<1048576x8xf32, #tpu.memory_space<hbm>> -> memref<2048x8xf32, #tpu.memory_space<hbm>>
        %dma_wait3A_52 = arith.constant 0 : i32
        %dma_wait3A_53 = tpu.memref_slice %arg7[%multiple_of3A, %dma_wait3A_52] : memref<1048576x8xf32, #tpu.memory_space<hbm>> -> memref<2048x8xf32, #tpu.memory_space<hbm>>
        tpu.wait_dma2 semaphore(%run_scoped3A : memref<!tpu.dma_semaphore, #tpu.memory_space<semaphore_mem>>) src(%arg11 : memref<2048x8xf32, #tpu.memory_space<vmem>>) dst(%dma_wait3A_53 : memref<2048x8xf32, #tpu.memory_space<hbm>>)
        tpu.yield
      }) : () -> ()
      %scan3A_47 = arith.constant 0 : i32
      scf.yield %scan3A_47 : i32
    }
    %scan3A_10 = arith.constant 16 : i32
    return
  }
}

module attributes {stable_mosaic.version = 14 : i64} {
  func.func @_tc_body(%arg0: i32, %arg1: memref<1024x1024xf32, #tpu.memory_space<vmem>>, %arg2: memref<1024x1024xf32, #tpu.memory_space<vmem>>, %arg3: memref<1024x128xf32, #tpu.memory_space<vmem>>, %arg4: memref<1024x128xf32, #tpu.memory_space<vmem>>, %arg5: memref<1024x128xf32, #tpu.memory_space<vmem>>, %arg6: memref<1024x128xf32, #tpu.memory_space<vmem>>, %arg7: memref<4096x128xf32, #tpu.memory_space<vmem>>, %arg8: memref<4096x128xf32, #tpu.memory_space<vmem>>, %arg9: memref<1024x256xf32, #tpu.memory_space<vmem>>) attributes {dimension_semantics = [#tpu.dimension_semantics<arbitrary>], iteration_bounds = array<i64: 8>, scalar_prefetch = 0 : i64, scratch_operands = 2 : i64, tpu.core_type = #tpu.core_type<tc>, window_params = [{transform_indices = @transform_0, window_bounds = array<i64: 1024, 1024>}, {transform_indices = @transform_1, window_bounds = array<i64: 1024, 1024>}, {transform_indices = @transform_2, window_bounds = array<i64: 1024, 128>}, {transform_indices = @transform_3, window_bounds = array<i64: 1024, 128>}, {transform_indices = @transform_4, window_bounds = array<i64: 1024, 128>}, {transform_indices = @transform_5, window_bounds = array<i64: 1024, 128>}, {pipeline_mode = #tpu.pipeline_mode<synchronous>, transform_indices = @transform_6, window_bounds = array<i64: 4096, 128>}]} {
    %eq3A = arith.constant 0 : i32
    %eq3A_0 = arith.cmpi eq, %arg0, %eq3A : i32
    %convert_element_type3A = arith.extui %eq3A_0 : i1 to i32
    %cond3A = arith.constant 0 : i32
    %cond3A_1 = arith.cmpi ne, %convert_element_type3A, %cond3A : i32
    scf.if %cond3A_1 {
      %iota3A = tpu.iota {dimensions = array<i32: 0>} : vector<1024x256xi32>
      %iota3A_96 = tpu.iota {dimensions = array<i32: 1>} : vector<1024x256xi32>
      %jit3A = arith.constant 8 : i32
      %div3A_97 = vector.broadcast %jit3A : i32 to vector<1024x256xi32>
      %div3A_98 = arith.divsi %iota3A, %div3A_97 : vector<1024x256xi32>
      %sign3A = arith.constant 0 : i32
      %sign3A_99 = vector.broadcast %sign3A : i32 to vector<1024x256xi32>
      %sign3A_100 = arith.cmpi sgt, %iota3A, %sign3A_99 : vector<1024x256xi32>
      %sign3A_101 = arith.extui %sign3A_100 : vector<1024x256xi1> to vector<1024x256xi32>
      %sign3A_102 = arith.constant 0 : i32
      %sign3A_103 = vector.broadcast %sign3A_102 : i32 to vector<1024x256xi32>
      %sign3A_104 = arith.cmpi slt, %iota3A, %sign3A_103 : vector<1024x256xi32>
      %sign3A_105 = arith.extui %sign3A_104 : vector<1024x256xi1> to vector<1024x256xi32>
      %sign3A_106 = arith.subi %sign3A_101, %sign3A_105 : vector<1024x256xi32>
      %sign3A_107 = arith.constant 0 : i32
      %sign3A_108 = arith.cmpi sgt, %jit3A, %sign3A_107 : i32
      %sign3A_109 = arith.extui %sign3A_108 : i1 to i32
      %sign3A_110 = arith.constant 0 : i32
      %sign3A_111 = arith.cmpi slt, %jit3A, %sign3A_110 : i32
      %sign3A_112 = arith.extui %sign3A_111 : i1 to i32
      %sign3A_113 = arith.subi %sign3A_109, %sign3A_112 : i32
      %ne3A = vector.broadcast %sign3A_113 : i32 to vector<1024x256xi32>
      %ne3A_114 = arith.cmpi ne, %sign3A_106, %ne3A : vector<1024x256xi32>
      %rem3A = vector.broadcast %jit3A : i32 to vector<1024x256xi32>
      %rem3A_115 = arith.remsi %iota3A, %rem3A : vector<1024x256xi32>
      %ne3A_116 = arith.constant 0 : i32
      %ne3A_117 = vector.broadcast %ne3A_116 : i32 to vector<1024x256xi32>
      %ne3A_118 = arith.cmpi ne, %rem3A_115, %ne3A_117 : vector<1024x256xi32>
      %and3A = arith.andi %ne3A_114, %ne3A_118 : vector<1024x256xi1>
      %sub3A_119 = arith.constant 1 : i32
      %sub3A_120 = vector.broadcast %sub3A_119 : i32 to vector<1024x256xi32>
      %sub3A_121 = arith.subi %div3A_98, %sub3A_120 : vector<1024x256xi32>
      %select_n3A_122 = arith.select %and3A, %sub3A_121, %div3A_98 : vector<1024x256xi1>, vector<1024x256xi32>
      %jit3A_123 = arith.constant 128 : i32
      %eq3A_124 = arith.constant 0 : i32
      %eq3A_125 = arith.cmpi eq, %jit3A_123, %eq3A_124 : i32
      %jit3A_126 = arith.constant 1 : i32
      %select_n3A_127 = arith.select %eq3A_125, %jit3A_126, %jit3A_123 : i32
      %rem3A_128 = vector.broadcast %select_n3A_127 : i32 to vector<1024x256xi32>
      %rem3A_129 = arith.remsi %iota3A_96, %rem3A_128 : vector<1024x256xi32>
      %ne3A_130 = arith.constant 0 : i32
      %ne3A_131 = vector.broadcast %ne3A_130 : i32 to vector<1024x256xi32>
      %ne3A_132 = arith.cmpi ne, %rem3A_129, %ne3A_131 : vector<1024x256xi32>
      %lt3A_133 = arith.constant 0 : i32
      %lt3A_134 = vector.broadcast %lt3A_133 : i32 to vector<1024x256xi32>
      %lt3A_135 = arith.cmpi slt, %rem3A_129, %lt3A_134 : vector<1024x256xi32>
      %lt3A_136 = arith.constant 0 : i32
      %lt3A_137 = arith.cmpi slt, %select_n3A_127, %lt3A_136 : i32
      %ne3A_138 = vector.broadcast %lt3A_137 : i1 to vector<1024x256xi1>
      %ne3A_139 = vector.broadcast %ne3A_138 : vector<1024x256xi1> to vector<1024x256xi1>
      %ne3A_140 = arith.xori %lt3A_135, %ne3A_139 : vector<1024x256xi1>
      %and3A_141 = arith.andi %ne3A_140, %ne3A_132 : vector<1024x256xi1>
      %add3A_142 = vector.broadcast %select_n3A_127 : i32 to vector<1024x256xi32>
      %add3A_143 = arith.addi %rem3A_129, %add3A_142 : vector<1024x256xi32>
      %select_n3A_144 = arith.select %and3A_141, %add3A_143, %rem3A_129 : vector<1024x256xi1>, vector<1024x256xi32>
      %eq3A_145 = arith.cmpi eq, %select_n3A_122, %select_n3A_144 : vector<1024x256xi32>
      %jit3A_146 = arith.constant 8 : i32
      %eq3A_147 = arith.constant 0 : i32
      %eq3A_148 = arith.cmpi eq, %jit3A_146, %eq3A_147 : i32
      %jit3A_149 = arith.constant 1 : i32
      %select_n3A_150 = arith.select %eq3A_148, %jit3A_149, %jit3A_146 : i32
      %rem3A_151 = vector.broadcast %select_n3A_150 : i32 to vector<1024x256xi32>
      %rem3A_152 = arith.remsi %iota3A, %rem3A_151 : vector<1024x256xi32>
      %ne3A_153 = arith.constant 0 : i32
      %ne3A_154 = vector.broadcast %ne3A_153 : i32 to vector<1024x256xi32>
      %ne3A_155 = arith.cmpi ne, %rem3A_152, %ne3A_154 : vector<1024x256xi32>
      %lt3A_156 = arith.constant 0 : i32
      %lt3A_157 = vector.broadcast %lt3A_156 : i32 to vector<1024x256xi32>
      %lt3A_158 = arith.cmpi slt, %rem3A_152, %lt3A_157 : vector<1024x256xi32>
      %lt3A_159 = arith.constant 0 : i32
      %lt3A_160 = arith.cmpi slt, %select_n3A_150, %lt3A_159 : i32
      %ne3A_161 = vector.broadcast %lt3A_160 : i1 to vector<1024x256xi1>
      %ne3A_162 = vector.broadcast %ne3A_161 : vector<1024x256xi1> to vector<1024x256xi1>
      %ne3A_163 = arith.xori %lt3A_158, %ne3A_162 : vector<1024x256xi1>
      %and3A_164 = arith.andi %ne3A_163, %ne3A_155 : vector<1024x256xi1>
      %add3A_165 = vector.broadcast %select_n3A_150 : i32 to vector<1024x256xi32>
      %add3A_166 = arith.addi %rem3A_152, %add3A_165 : vector<1024x256xi32>
      %select_n3A_167 = arith.select %and3A_164, %add3A_166, %rem3A_152 : vector<1024x256xi1>, vector<1024x256xi32>
      %lt3A_168 = arith.constant 3 : i32
      %lt3A_169 = vector.broadcast %lt3A_168 : i32 to vector<1024x256xi32>
      %lt3A_170 = arith.cmpi slt, %select_n3A_167, %lt3A_169 : vector<1024x256xi32>
      %and3A_171 = arith.andi %eq3A_145, %lt3A_170 : vector<1024x256xi1>
      %lt3A_172 = arith.constant 128 : i32
      %lt3A_173 = vector.broadcast %lt3A_172 : i32 to vector<1024x256xi32>
      %lt3A_174 = arith.cmpi slt, %iota3A_96, %lt3A_173 : vector<1024x256xi32>
      %and3A_175 = arith.andi %and3A_171, %lt3A_174 : vector<1024x256xi1>
      %jit3A_176 = arith.constant 8 : i32
      %div3A_177 = vector.broadcast %jit3A_176 : i32 to vector<1024x256xi32>
      %div3A_178 = arith.divsi %iota3A, %div3A_177 : vector<1024x256xi32>
      %sign3A_179 = arith.constant 0 : i32
      %sign3A_180 = vector.broadcast %sign3A_179 : i32 to vector<1024x256xi32>
      %sign3A_181 = arith.cmpi sgt, %iota3A, %sign3A_180 : vector<1024x256xi32>
      %sign3A_182 = arith.extui %sign3A_181 : vector<1024x256xi1> to vector<1024x256xi32>
      %sign3A_183 = arith.constant 0 : i32
      %sign3A_184 = vector.broadcast %sign3A_183 : i32 to vector<1024x256xi32>
      %sign3A_185 = arith.cmpi slt, %iota3A, %sign3A_184 : vector<1024x256xi32>
      %sign3A_186 = arith.extui %sign3A_185 : vector<1024x256xi1> to vector<1024x256xi32>
      %sign3A_187 = arith.subi %sign3A_182, %sign3A_186 : vector<1024x256xi32>
      %sign3A_188 = arith.constant 0 : i32
      %sign3A_189 = arith.cmpi sgt, %jit3A_176, %sign3A_188 : i32
      %sign3A_190 = arith.extui %sign3A_189 : i1 to i32
      %sign3A_191 = arith.constant 0 : i32
      %sign3A_192 = arith.cmpi slt, %jit3A_176, %sign3A_191 : i32
      %sign3A_193 = arith.extui %sign3A_192 : i1 to i32
      %sign3A_194 = arith.subi %sign3A_190, %sign3A_193 : i32
      %ne3A_195 = vector.broadcast %sign3A_194 : i32 to vector<1024x256xi32>
      %ne3A_196 = arith.cmpi ne, %sign3A_187, %ne3A_195 : vector<1024x256xi32>
      %rem3A_197 = vector.broadcast %jit3A_176 : i32 to vector<1024x256xi32>
      %rem3A_198 = arith.remsi %iota3A, %rem3A_197 : vector<1024x256xi32>
      %ne3A_199 = arith.constant 0 : i32
      %ne3A_200 = vector.broadcast %ne3A_199 : i32 to vector<1024x256xi32>
      %ne3A_201 = arith.cmpi ne, %rem3A_198, %ne3A_200 : vector<1024x256xi32>
      %and3A_202 = arith.andi %ne3A_196, %ne3A_201 : vector<1024x256xi1>
      %sub3A_203 = arith.constant 1 : i32
      %sub3A_204 = vector.broadcast %sub3A_203 : i32 to vector<1024x256xi32>
      %sub3A_205 = arith.subi %div3A_178, %sub3A_204 : vector<1024x256xi32>
      %select_n3A_206 = arith.select %and3A_202, %sub3A_205, %div3A_178 : vector<1024x256xi1>, vector<1024x256xi32>
      %jit3A_207 = arith.constant 128 : i32
      %eq3A_208 = arith.constant 0 : i32
      %eq3A_209 = arith.cmpi eq, %jit3A_207, %eq3A_208 : i32
      %jit3A_210 = arith.constant 1 : i32
      %select_n3A_211 = arith.select %eq3A_209, %jit3A_210, %jit3A_207 : i32
      %rem3A_212 = vector.broadcast %select_n3A_211 : i32 to vector<1024x256xi32>
      %rem3A_213 = arith.remsi %iota3A_96, %rem3A_212 : vector<1024x256xi32>
      %ne3A_214 = arith.constant 0 : i32
      %ne3A_215 = vector.broadcast %ne3A_214 : i32 to vector<1024x256xi32>
      %ne3A_216 = arith.cmpi ne, %rem3A_213, %ne3A_215 : vector<1024x256xi32>
      %lt3A_217 = arith.constant 0 : i32
      %lt3A_218 = vector.broadcast %lt3A_217 : i32 to vector<1024x256xi32>
      %lt3A_219 = arith.cmpi slt, %rem3A_213, %lt3A_218 : vector<1024x256xi32>
      %lt3A_220 = arith.constant 0 : i32
      %lt3A_221 = arith.cmpi slt, %select_n3A_211, %lt3A_220 : i32
      %ne3A_222 = vector.broadcast %lt3A_221 : i1 to vector<1024x256xi1>
      %ne3A_223 = vector.broadcast %ne3A_222 : vector<1024x256xi1> to vector<1024x256xi1>
      %ne3A_224 = arith.xori %lt3A_219, %ne3A_223 : vector<1024x256xi1>
      %and3A_225 = arith.andi %ne3A_224, %ne3A_216 : vector<1024x256xi1>
      %add3A_226 = vector.broadcast %select_n3A_211 : i32 to vector<1024x256xi32>
      %add3A_227 = arith.addi %rem3A_213, %add3A_226 : vector<1024x256xi32>
      %select_n3A_228 = arith.select %and3A_225, %add3A_227, %rem3A_213 : vector<1024x256xi1>, vector<1024x256xi32>
      %eq3A_229 = arith.cmpi eq, %select_n3A_206, %select_n3A_228 : vector<1024x256xi32>
      %jit3A_230 = arith.constant 8 : i32
      %eq3A_231 = arith.constant 0 : i32
      %eq3A_232 = arith.cmpi eq, %jit3A_230, %eq3A_231 : i32
      %jit3A_233 = arith.constant 1 : i32
      %select_n3A_234 = arith.select %eq3A_232, %jit3A_233, %jit3A_230 : i32
      %rem3A_235 = vector.broadcast %select_n3A_234 : i32 to vector<1024x256xi32>
      %rem3A_236 = arith.remsi %iota3A, %rem3A_235 : vector<1024x256xi32>
      %ne3A_237 = arith.constant 0 : i32
      %ne3A_238 = vector.broadcast %ne3A_237 : i32 to vector<1024x256xi32>
      %ne3A_239 = arith.cmpi ne, %rem3A_236, %ne3A_238 : vector<1024x256xi32>
      %lt3A_240 = arith.constant 0 : i32
      %lt3A_241 = vector.broadcast %lt3A_240 : i32 to vector<1024x256xi32>
      %lt3A_242 = arith.cmpi slt, %rem3A_236, %lt3A_241 : vector<1024x256xi32>
      %lt3A_243 = arith.constant 0 : i32
      %lt3A_244 = arith.cmpi slt, %select_n3A_234, %lt3A_243 : i32
      %ne3A_245 = vector.broadcast %lt3A_244 : i1 to vector<1024x256xi1>
      %ne3A_246 = vector.broadcast %ne3A_245 : vector<1024x256xi1> to vector<1024x256xi1>
      %ne3A_247 = arith.xori %lt3A_242, %ne3A_246 : vector<1024x256xi1>
      %and3A_248 = arith.andi %ne3A_247, %ne3A_239 : vector<1024x256xi1>
      %add3A_249 = vector.broadcast %select_n3A_234 : i32 to vector<1024x256xi32>
      %add3A_250 = arith.addi %rem3A_236, %add3A_249 : vector<1024x256xi32>
      %select_n3A_251 = arith.select %and3A_248, %add3A_250, %rem3A_236 : vector<1024x256xi1>, vector<1024x256xi32>
      %eq3A_252 = arith.constant 3 : i32
      %eq3A_253 = vector.broadcast %eq3A_252 : i32 to vector<1024x256xi32>
      %eq3A_254 = arith.cmpi eq, %select_n3A_251, %eq3A_253 : vector<1024x256xi32>
      %and3A_255 = arith.andi %eq3A_229, %eq3A_254 : vector<1024x256xi1>
      %ge3A = arith.constant 128 : i32
      %ge3A_256 = vector.broadcast %ge3A : i32 to vector<1024x256xi32>
      %ge3A_257 = arith.cmpi sge, %iota3A_96, %ge3A_256 : vector<1024x256xi32>
      %and3A_258 = arith.andi %and3A_255, %ge3A_257 : vector<1024x256xi1>
      %or3A = arith.ori %and3A_175, %and3A_258 : vector<1024x256xi1>
      %convert_element_type3A_259 = arith.extui %or3A : vector<1024x256xi1> to vector<1024x256xi32>
      %convert_element_type3A_260 = arith.sitofp %convert_element_type3A_259 : vector<1024x256xi32> to vector<1024x256xf32>
      %swap3A_261 = arith.constant 0 : index
      %swap3A_262 = arith.constant 0 : index
      %swap3A_263 = vector.load %arg9[%swap3A_261, %swap3A_262] : memref<1024x256xf32, #tpu.memory_space<vmem>>, vector<1024x256xf32>
      tpu.vector_store %arg9[%swap3A_261, %swap3A_262], %convert_element_type3A_260 {strides = array<i32>} : memref<1024x256xf32, #tpu.memory_space<vmem>>, vector<1024x256xf32>,
    } else {
    }
    %get3A = arith.constant 0 : index
    %get3A_2 = arith.constant 0 : index
    %get3A_3 = vector.load %arg9[%get3A, %get3A_2] : memref<1024x256xf32, #tpu.memory_space<vmem>>, vector<1024x256xf32>
    %slice3A = vector.extract_strided_slice %get3A_3 {offsets = [0, 0], sizes = [1024, 128], strides = [1, 1]} : vector<1024x256xf32> to vector<1024x128xf32>
    %get3A_4 = arith.constant 0 : index
    %get3A_5 = arith.constant 0 : index
    %get3A_6 = vector.load %arg9[%get3A_4, %get3A_5] : memref<1024x256xf32, #tpu.memory_space<vmem>>, vector<1024x256xf32>
    %slice3A_7 = vector.extract_strided_slice %get3A_6 {offsets = [0, 128], sizes = [1024, 128], strides = [1, 1]} : vector<1024x256xf32> to vector<1024x128xf32>
    %get3A_8 = arith.constant 0 : index
    %get3A_9 = arith.constant 0 : index
    %get3A_10 = vector.load %arg1[%get3A_8, %get3A_9] : memref<1024x1024xf32, #tpu.memory_space<vmem>>, vector<1024x1024xf32>
    %get3A_11 = arith.constant 0 : index
    %get3A_12 = arith.constant 0 : index
    %get3A_13 = vector.load %arg2[%get3A_11, %get3A_12] : memref<1024x1024xf32, #tpu.memory_space<vmem>>, vector<1024x1024xf32>
    %sub3A = arith.subf %get3A_10, %get3A_13 : vector<1024x1024xf32>
    %mul3A = arith.mulf %sub3A, %sub3A : vector<1024x1024xf32>
    %dot_general3A = arith.constant dense<0.000000e+00> : vector<1024x128xf32>
    %dot_general3A_14 = tpu.matmul %mul3A, %slice3A, %dot_general3A {dimension_numbers = #tpu.dot_dimension_numbers<[1], [0], [0], [1], [0, 0, 1, 1], [], []>, transpose_lhs_hint = false} : vector<1024x1024xf32>, vector<1024x128xf32>, vector<1024x128xf32> -> vector<1024x128xf32>
    %add3A = arith.addf %get3A_10, %get3A_13 : vector<1024x1024xf32>
    %dot_general3A_15 = arith.constant dense<0.000000e+00> : vector<1024x128xf32>
    %dot_general3A_16 = tpu.matmul %add3A, %slice3A_7, %dot_general3A_15 {dimension_numbers = #tpu.dot_dimension_numbers<[1], [0], [0], [1], [0, 0, 1, 1], [], []>, transpose_lhs_hint = false} : vector<1024x1024xf32>, vector<1024x128xf32>, vector<1024x128xf32> -> vector<1024x128xf32>
    %dot_general3A_17 = arith.constant dense<0.000000e+00> : vector<1024x128xf32>
    %dot_general3A_18 = tpu.matmul %get3A_13, %slice3A_7, %dot_general3A_17 {dimension_numbers = #tpu.dot_dimension_numbers<[1], [0], [0], [1], [0, 0, 1, 1], [], []>, transpose_lhs_hint = false} : vector<1024x1024xf32>, vector<1024x128xf32>, vector<1024x128xf32> -> vector<1024x128xf32>
    %get3A_19 = arith.constant 0 : index
    %get3A_20 = arith.constant 0 : index
    %get3A_21 = vector.load %arg3[%get3A_19, %get3A_20] : memref<1024x128xf32, #tpu.memory_space<vmem>>, vector<1024x128xf32>
    %get3A_22 = arith.constant 0 : index
    %get3A_23 = arith.constant 0 : index
    %get3A_24 = vector.load %arg4[%get3A_22, %get3A_23] : memref<1024x128xf32, #tpu.memory_space<vmem>>, vector<1024x128xf32>
    %get3A_25 = arith.constant 0 : index
    %get3A_26 = arith.constant 0 : index
    %get3A_27 = vector.load %arg5[%get3A_25, %get3A_26] : memref<1024x128xf32, #tpu.memory_space<vmem>>, vector<1024x128xf32>
    %sqrt3A = math.sqrt %dot_general3A_14 : vector<1024x128xf32>
    %sub3A_28 = arith.constant 1.000000e+00 : f32
    %sub3A_29 = vector.broadcast %sub3A_28 : f32 to vector<1024x128xf32>
    %sub3A_30 = arith.subf %sub3A_29, %get3A_21 : vector<1024x128xf32>
    %mul3A_31 = arith.constant -2.53179193 : f32
    %mul3A_32 = vector.broadcast %mul3A_31 : f32 to vector<1024x128xf32>
    %mul3A_33 = arith.mulf %mul3A_32, %get3A_21 : vector<1024x128xf32>
    %add3A_34 = arith.constant 6.000000e+00 : f32
    %add3A_35 = vector.broadcast %add3A_34 : f32 to vector<1024x128xf32>
    %add3A_36 = arith.addf %add3A_35, %mul3A_33 : vector<1024x128xf32>
    %div3A = arith.divf %sqrt3A, %add3A_36 : vector<1024x128xf32>
    %add3A_37 = arith.addf %dot_general3A_16, %div3A : vector<1024x128xf32>
    %swap3A = arith.constant 0 : index
    %swap3A_38 = arith.constant 0 : index
    %swap3A_39 = vector.load %arg6[%swap3A, %swap3A_38] : memref<1024x128xf32, #tpu.memory_space<vmem>>, vector<1024x128xf32>
    tpu.vector_store %arg6[%swap3A, %swap3A_38], %add3A_37 {strides = array<i32>} : memref<1024x128xf32, #tpu.memory_space<vmem>>, vector<1024x128xf32>,
    %sub3A_40 = arith.subf %add3A_37, %get3A_24 : vector<1024x128xf32>
    %abs3A = math.absf %sub3A_40 : vector<1024x128xf32>
    %lt3A = arith.constant 1.000000e+00 : f32
    %lt3A_41 = vector.broadcast %lt3A : f32 to vector<1024x128xf32>
    %lt3A_42 = arith.cmpf olt, %abs3A, %lt3A_41 : vector<1024x128xf32>
    %mul3A_43 = arith.constant 5.000000e-01 : f32
    %mul3A_44 = vector.broadcast %mul3A_43 : f32 to vector<1024x128xf32>
    %mul3A_45 = arith.mulf %mul3A_44, %sub3A_40 : vector<1024x128xf32>
    %mul3A_46 = arith.mulf %mul3A_45, %sub3A_40 : vector<1024x128xf32>
    %sub3A_47 = arith.constant 5.000000e-01 : f32
    %sub3A_48 = vector.broadcast %sub3A_47 : f32 to vector<1024x128xf32>
    %sub3A_49 = arith.subf %abs3A, %sub3A_48 : vector<1024x128xf32>
    %select_n3A = arith.select %lt3A_42, %mul3A_46, %sub3A_49 : vector<1024x128xi1>, vector<1024x128xf32>
    %mul3A_50 = arith.mulf %select_n3A, %get3A_27 : vector<1024x128xf32>
    %abs3A_51 = math.absf %dot_general3A_18 : vector<1024x128xf32>
    %mul3A_52 = arith.constant 1.000000e-01 : f32
    %mul3A_53 = vector.broadcast %mul3A_52 : f32 to vector<1024x128xf32>
    %mul3A_54 = arith.mulf %mul3A_53, %abs3A_51 : vector<1024x128xf32>
    %add3A_55 = arith.addf %mul3A_50, %mul3A_54 : vector<1024x128xf32>
    %eq3A_56 = arith.constant 0 : i32
    %eq3A_57 = arith.cmpi eq, %arg0, %eq3A_56 : i32
    %convert_element_type3A_58 = arith.extui %eq3A_57 : i1 to i32
    %cond3A_59 = arith.constant 0 : i32
    %cond3A_60 = arith.cmpi ne, %convert_element_type3A_58, %cond3A_59 : i32
    scf.if %cond3A_60 {
      %broadcast_in_dim3A = arith.constant 0.000000e+00 : f32
      %broadcast_in_dim3A_96 = vector.broadcast %broadcast_in_dim3A : f32 to vector<4096x128xf32>
      %swap3A_97 = arith.constant 0 : index
      %swap3A_98 = arith.constant 0 : index
      %swap3A_99 = vector.load %arg8[%swap3A_97, %swap3A_98] : memref<4096x128xf32, #tpu.memory_space<vmem>>, vector<4096x128xf32>
      tpu.vector_store %arg8[%swap3A_97, %swap3A_98], %broadcast_in_dim3A_96 {strides = array<i32>} : memref<4096x128xf32, #tpu.memory_space<vmem>>, vector<4096x128xf32>,
    } else {
    }
    %get3A_61 = arith.constant 0 : index
    %get3A_62 = arith.constant 0 : index
    %get3A_63 = vector.load %arg8[%get3A_61, %get3A_62] : memref<4096x128xf32, #tpu.memory_space<vmem>>, vector<1024x128xf32>
    %mul3A_64 = arith.mulf %add3A_55, %sub3A_30 : vector<1024x128xf32>
    %add3A_65 = arith.addf %get3A_63, %mul3A_64 : vector<1024x128xf32>
    %swap3A_66 = arith.constant 0 : index
    %swap3A_67 = arith.constant 0 : index
    %swap3A_68 = vector.load %arg8[%swap3A_66, %swap3A_67] : memref<4096x128xf32, #tpu.memory_space<vmem>>, vector<1024x128xf32>
    tpu.vector_store %arg8[%swap3A_66, %swap3A_67], %add3A_65 {strides = array<i32>} : memref<4096x128xf32, #tpu.memory_space<vmem>>, vector<1024x128xf32>,
    %get3A_69 = arith.constant 1024 : index
    %get3A_70 = arith.constant 0 : index
    %get3A_71 = vector.load %arg8[%get3A_69, %get3A_70] : memref<4096x128xf32, #tpu.memory_space<vmem>>, vector<1024x128xf32>
    %mul3A_72 = arith.mulf %add3A_55, %get3A_21 : vector<1024x128xf32>
    %add3A_73 = arith.addf %get3A_71, %mul3A_72 : vector<1024x128xf32>
    %swap3A_74 = arith.constant 1024 : index
    %swap3A_75 = arith.constant 0 : index
    %swap3A_76 = vector.load %arg8[%swap3A_74, %swap3A_75] : memref<4096x128xf32, #tpu.memory_space<vmem>>, vector<1024x128xf32>
    tpu.vector_store %arg8[%swap3A_74, %swap3A_75], %add3A_73 {strides = array<i32>} : memref<4096x128xf32, #tpu.memory_space<vmem>>, vector<1024x128xf32>,
    %get3A_77 = arith.constant 2048 : index
    %get3A_78 = arith.constant 0 : index
    %get3A_79 = vector.load %arg8[%get3A_77, %get3A_78] : memref<4096x128xf32, #tpu.memory_space<vmem>>, vector<1024x128xf32>
    %add3A_80 = arith.addf %get3A_79, %sub3A_30 : vector<1024x128xf32>
    %swap3A_81 = arith.constant 2048 : index
    %swap3A_82 = arith.constant 0 : index
    %swap3A_83 = vector.load %arg8[%swap3A_81, %swap3A_82] : memref<4096x128xf32, #tpu.memory_space<vmem>>, vector<1024x128xf32>
    tpu.vector_store %arg8[%swap3A_81, %swap3A_82], %add3A_80 {strides = array<i32>} : memref<4096x128xf32, #tpu.memory_space<vmem>>, vector<1024x128xf32>,
    %get3A_84 = arith.constant 3072 : index
    %get3A_85 = arith.constant 0 : index
    %get3A_86 = vector.load %arg8[%get3A_84, %get3A_85] : memref<4096x128xf32, #tpu.memory_space<vmem>>, vector<1024x128xf32>
    %add3A_87 = arith.addf %get3A_86, %get3A_21 : vector<1024x128xf32>
    %swap3A_88 = arith.constant 3072 : index
    %swap3A_89 = arith.constant 0 : index
    %swap3A_90 = vector.load %arg8[%swap3A_88, %swap3A_89] : memref<4096x128xf32, #tpu.memory_space<vmem>>, vector<1024x128xf32>
    tpu.vector_store %arg8[%swap3A_88, %swap3A_89], %add3A_87 {strides = array<i32>} : memref<4096x128xf32, #tpu.memory_space<vmem>>, vector<1024x128xf32>,
    %eq3A_91 = arith.constant 7 : i32
    %eq3A_92 = arith.cmpi eq, %arg0, %eq3A_91 : i32
    %convert_element_type3A_93 = arith.extui %eq3A_92 : i1 to i32
    %cond3A_94 = arith.constant 0 : i32
    %cond3A_95 = arith.cmpi ne, %convert_element_type3A_93, %cond3A_94 : i32
    scf.if %cond3A_95 {
      %get3A_96 = arith.constant 0 : index
      %get3A_97 = arith.constant 0 : index
      %get3A_98 = vector.load %arg8[%get3A_96, %get3A_97] : memref<4096x128xf32, #tpu.memory_space<vmem>>, vector<4096x128xf32>
      %swap3A_99 = arith.constant 0 : index
      %swap3A_100 = arith.constant 0 : index
      %swap3A_101 = vector.load %arg7[%swap3A_99, %swap3A_100] : memref<4096x128xf32, #tpu.memory_space<vmem>>, vector<4096x128xf32>
      tpu.vector_store %arg7[%swap3A_99, %swap3A_100], %get3A_98 {strides = array<i32>} : memref<4096x128xf32, #tpu.memory_space<vmem>>, vector<4096x128xf32>,
    } else {
    }
    return
  }
  func.func @transform_0(%arg0: i32) -> (i32, i32) {
    %c0_i32 = arith.constant 0 : i32
    %c0_i32_0 = arith.constant 0 : i32
    return %arg0, %c0_i32 : i32, i32
  }
  func.func @transform_1(%arg0: i32) -> (i32, i32) {
    %c0_i32 = arith.constant 0 : i32
    %c0_i32_0 = arith.constant 0 : i32
    return %arg0, %c0_i32 : i32, i32
  }
  func.func @transform_2(%arg0: i32) -> (i32, i32) {
    %c0_i32 = arith.constant 0 : i32
    %c0_i32_0 = arith.constant 0 : i32
    return %arg0, %c0_i32 : i32, i32
  }
  func.func @transform_3(%arg0: i32) -> (i32, i32) {
    %c0_i32 = arith.constant 0 : i32
    %c0_i32_0 = arith.constant 0 : i32
    return %arg0, %c0_i32 : i32, i32
  }
  func.func @transform_4(%arg0: i32) -> (i32, i32) {
    %c0_i32 = arith.constant 0 : i32
    %c0_i32_0 = arith.constant 0 : i32
    return %arg0, %c0_i32 : i32, i32
  }
  func.func @transform_5(%arg0: i32) -> (i32, i32) {
    %c0_i32 = arith.constant 0 : i32
    %c0_i32_0 = arith.constant 0 : i32
    return %arg0, %c0_i32 : i32, i32
  }
  func.func @transform_6(%arg0: i32) -> (i32, i32) {
    %c0_i32 = arith.constant 0 : i32
    %c0_i32_0 = arith.constant 0 : i32
    %c0_i32_1 = arith.constant 0 : i32
    return %c0_i32, %c0_i32_0 : i32, i32
  }
}

</mosaic_0001>

<sc_bundles>
// kernel: kernel.4.cloned.1.call-start
scs
__scs_entry_jumppad:
0x0: {  	(pc) =	sbr.rel $0x88, $3  }
0x1: {  	(tag) =	ssettag $0x0;
	lr =	simm.s32 $0x1  }
0x2: {  	[smem:$0x3F98] =	sst lr;
	_ =	strace $0xD0000000  }
0x3: {  	_ = 	snop  }
0x4: {  	_ = 	snop  }
0x5: {  	_ = 	snop  }
0x6: {  	_ = 	snop  }
0x7: {  	_ = 	snop  }
__scs_overlays_trampoline_lowered:
0x8: {  	[smem:$0x3FA7] =	sst s0  }
0x9: {  	[smem:$0x3FA8] =	sst s1  }
0xa: {  	[smem:$0x3FA9] =	sst s2  }
0xb: {  	[smem:$0x3FAA] =	sst s3  }
0xc: {  	[smem:$0x3FAB] =	sst s4  }
0xd: {  	[smem:$0x3FAC] =	sst s5  }
0xe: {  	[smem:$0x3FAD] =	sst s6  }
0xf: {  	[smem:$0x3FAE] =	sst s7  }
0x10: {  	[smem:$0x3FAF] =	sst s8  }
0x11: {  	[smem:$0x3FB0] =	sst s9;
	s0 =	simm.s32 @!p0 $0x0  }
0x12: {  	s1 =	sld [smem:$0x3F96];
	s0 =	simm.s32 @p0 $0x1  }
0x13: {  	[smem:$0x3FB1] =	sst s0;
	s0 =	simm.s32 @!p1 $0x0  }
0x14: {  	s2 =	sld [smem:$0x3F95];
	s0 =	simm.s32 @p1 $0x1  }
0x15: {  	[smem:$0x3FB2] =	sst s0;
	s0 =	simm.s32 @!p2 $0x0  }
0x16: {  	s3 =	sld [smem:$0x3FDB];
	s0 =	simm.s32 @p2 $0x1  }
0x17: {  	s4 =	simm.s32 $0x1BF5;
	[smem:$0x3FB4] =	sst s0  }
0x18: {  	s0 =	sld [smem:$0x3F97];
	_ =	swait.ge [sflag:s4], $0x0  }
0x19: {  	s7 =	sld [smem:$0x3F98]  }
0x1a: {  	s8 =	sadd.s32 $0xFFFFE003, lr  }
0x1b: {  	s9 =	sadd.s32 $0xFFFFFEF7, lr;
	s5 =	simm.s32 $0xFFFFFFFF;
	p2 =	slt.u32 s8, $0xFFFFF086  }
0x1c: {  	p1 =	slt.u32 s9, $0xF7A;
	s5 =	simm.s32 @!p2 $0x0  }
0x1d: {  	s5 =	simm.s32 @p1 $0x1;
	p0 =	seq.s32 s7, s2  }
0x1e: {  	s7 =	smul.u32 @!p0 $0xF7A, s2;
	p2 =	seq.s32 @!p0 s5, $0x0  }
0x1f: {  	s9 =	smul.u32 $0xF7A, s1;
	s8 =	simm.s32 @!p0 $0x1BF5;
	p2 =	por !p2, p0  }
0x20: {  	[sflag:s8] =	ssyncset.s32 @!p0 $0xFFFFF086;
	s6 =	sadd.s32 @!p0 s3, s7;
	s7 =	simm.s32 @!p0 $0x108  }
0x21: {  	s3 =	sadd.s32 s3, s9;
	s6 =	sadd.s32 @!p0 $0x88, s6;
	s7 =	simm.s32 @p2 $0x1082  }
0x22: {  	[simem:s7], [sflag:s8] =	dma.local @!p0 [hbm:s6], $0xF7A  }
0x23: {  	s9 =	sor.u32 $0xD0000000, s2;
	s6 =	simm.s32 $0x108;
	_ =	swait.ge @!p0 [sflag:s8], $0x0  }
0x24: {  	s3 =	sadd.s32 $0x88, s3;
	s6 =	simm.s32 @!p1 $0x1082;
	[sflag:s4] =	ssyncset.s32 $0xFFFFF086  }
0x25: {  	[simem:s6], [sflag:s4] =	dma.local [hbm:s3], $0xF7A  }
0x26: {  	[smem:$0x3F98] =	sst s1;
	(tag) =	ssettag s2;
	_ =	strace s9  }
0x27: {  	s1 =	sld [smem:$0x3FA8]  }
0x28: {  	s2 =	sld [smem:$0x3FA9]  }
0x29: {  	s4 =	sld [smem:$0x3FAB]  }
0x2a: {  	p0 =	seq.s32 s5, $0x0;
	s5 =	sld [smem:$0x3FAC]  }
0x2b: {  	s6 =	sld [smem:$0x3FAD]  }
0x2c: {  	s7 =	sld [smem:$0x3FAE]  }
0x2d: {  	s3 =	simm.s32 $0x108;
	s8 =	sld [smem:$0x3FAF]  }
0x2e: {  	s3 =	simm.s32 @!p0 $0x1082;
	s9 =	sld [smem:$0x3FB0]  }
0x2f: {  	lr =	sadd.s32 s0, s3;
	s0 =	sld [smem:$0x3FA7]  }
0x30: {  	s3 =	sld [smem:$0x3FAA]  }
0x31: {  	[smem:$0x3FB3] =	sst s10  }
0x32: {  	s10 =	sld [smem:$0x3FB1];
	_ =	sdelay $0x3  }
0x33: {  	p0 =	seq.s32 s10, $0x1;
	s10 =	sld [smem:$0x3FB3];
	_ =	sdelay $0x3  }
0x34: {  	[smem:$0x3FB3] =	sst s10  }
0x35: {  	s10 =	sld [smem:$0x3FB2];
	_ =	sdelay $0x3  }
0x36: {  	p1 =	seq.s32 s10, $0x1;
	s10 =	sld [smem:$0x3FB3];
	_ =	sdelay $0x3  }
0x37: {  	[smem:$0x3FB3] =	sst s10  }
0x38: {  	s10 =	sld [smem:$0x3FB4]  }
0x39: {  	_ = 	snop;
	(pc) =	sbr.ind lr, $3  }
0x3a: {  	_ = 	snop  }
0x3b: {  	_ = 	snop  }
0x3c: {  	p2 =	seq.s32 s10, $0x1;
	s10 =	sld [smem:$0x3FB3]  }
0x3d: {  	_ =	shalt  }
0x3e: {  	_ =	shalt  }
0x3f: {  	_ =	shalt  }
0x40: {  	_ =	shalt  }
0x41: {  	_ =	shalt  }
0x42: {  	_ =	shalt  }
0x43: {  	_ =	shalt  }
0x44: {  	_ =	shalt  }
0x45: {  	_ =	shalt  }
0x46: {  	_ =	shalt  }
0x47: {  	_ =	shalt  }
0x48: {  	_ =	shalt  }
0x49: {  	_ =	shalt  }
0x4a: {  	_ =	shalt  }
0x4b: {  	_ =	shalt  }
0x4c: {  	_ =	shalt  }
0x4d: {  	_ =	shalt  }
0x4e: {  	_ =	shalt  }
0x4f: {  	_ =	shalt  }
0x50: {  	_ =	shalt  }
0x51: {  	_ =	shalt  }
0x52: {  	_ =	shalt  }
0x53: {  	_ =	shalt  }
0x54: {  	_ =	shalt  }
0x55: {  	_ =	shalt  }
0x56: {  	_ =	shalt  }
0x57: {  	_ =	shalt  }
0x58: {  	_ =	shalt  }
0x59: {  	_ =	shalt  }
0x5a: {  	_ =	shalt  }
0x5b: {  	_ =	shalt  }
0x5c: {  	_ =	shalt  }
0x5d: {  	_ =	shalt  }
0x5e: {  	_ =	shalt  }
0x5f: {  	_ =	shalt  }
0x60: {  	_ =	shalt  }
0x61: {  	_ =	shalt  }
0x62: {  	_ =	shalt  }
0x63: {  	_ =	shalt  }
0x64: {  	_ =	shalt  }
0x65: {  	_ =	shalt  }
0x66: {  	_ =	shalt  }
0x67: {  	_ =	shalt  }
0x68: {  	_ =	shalt  }
0x69: {  	_ =	shalt  }
0x6a: {  	_ =	shalt  }
0x6b: {  	_ =	shalt  }
0x6c: {  	_ =	shalt  }
0x6d: {  	_ =	shalt  }
0x6e: {  	_ =	shalt  }
0x6f: {  	_ =	shalt  }
0x70: {  	_ =	shalt  }
0x71: {  	_ =	shalt  }
0x72: {  	_ =	shalt  }
0x73: {  	_ =	shalt  }
0x74: {  	_ =	shalt  }
0x75: {  	_ =	shalt  }
0x76: {  	_ =	shalt  }
0x77: {  	_ =	shalt  }
0x78: {  	_ =	shalt  }
0x79: {  	_ =	shalt  }
0x7a: {  	_ =	shalt  }
0x7b: {  	_ =	shalt  }
0x7c: {  	_ =	shalt  }
0x7d: {  	_ =	shalt  }
0x7e: {  	_ =	shalt  }
0x7f: {  	_ =	shalt  }
0x80: {  	_ =	shalt  }
0x81: {  	_ =	shalt  }
0x82: {  	_ =	shalt  }
0x83: {  	_ =	shalt  }
0x84: {  	_ =	shalt  }
0x85: {  	_ =	shalt  }
0x86: {  	_ =	shalt  }
0x87: {  	_ =	shalt  }
.Lfunc_end0:
.L_simem_size_0:
called_computation_lowered:
.L_overlay_start_0:
0x88: {  	s2 =	sld [smem:$0x3FD9]  }
0x89: {  	s3 =	sld [smem:$0x3FFE];
	_ =	sdelay $0x1  }
0x8a: {  	s1 =	srdreg.scid  }
0x8b: {  	s0 =	sand.u32 $0x1, s1  }
0x8c: {  	s14 =	sshll.u32 s0, $0xA;
	s2 =	sadd.s32 s3, s2  }
0x8d: {  	s2 =	sadd.s32 s2, s14  }
0x8e: {  	[smem:$0x3FBF] =	sst s2  }
0x8f: {  	_ = 	snop  }
0x90: {  	s2 =	sld [smem:$0x3FD0];
	_ =	sdelay $0x2  }
0x91: {  	s4 =	simm.s32 $0xA;
	s5 =	simm.s32 $0x10;
	s15 =	sld [smem:$0x3FC8]  }
0x92: {  	[smem:s5], [sflag:s4] =	dma.local [hbm:s2], $0x1  }
0x93: {  	_ =	swait.eq [sflag:s4], $0x1  }
0x94: {  	[sflag:s4] =	ssyncset.done $0x0  }
0x95: {  	[sflag:s4] =	ssyncadd.s32 $0xFFFFFFFF  }
0x96: {  	s16 =	sld [smem:$0x10];
	(tm) =	ssettm $0x1  }
0x97: {  	s17 =	sld [smem:$0x3FFB];
	_ =	sdelay $0x3  }
0x98: {  	_ =	strace s17  }
0x99: {  	s4 =	sld [smem:$0x3FFC];
	_ =	sdelay $0x3  }
0x9a: {  	_ =	strace s4  }
0x9b: {  	s4 =	sld [smem:$0x3FFD];
	_ =	sdelay $0x3  }
0x9c: {  	_ =	strace s4  }
0x9d: {  	_ =	strace $0x8FFFFFFF  }
0x9e: {  	s18 =	sld [smem:$0x3FDB];
	_ =	sdelay $0x1  }
0x9f: {  	s19 =	simm.s32 $_scs_section_size  }
0xa0: {  	s6 =	simm.s32 $_size__tile_overlayer_lowered;
	s7 =	simm.s32 $_tile_overlayer_lowered  }
0xa1: {  	s22 =	simm.s32 $0x1BFF;
	s21 =	sshll.u32 s7, $0x1;
	s4 =	sadd.s32 s19, s18  }
0xa2: {  	s8 =	simm.s32 $0x0;
	s20 =	sshll.u32 s6, $0x1;
	s6 =	sadd.s32 s21, s4  }
0xa3: {  	[timem:s8], [sflag:s22] =	dma.local [hbm:s6], s20  }
0xa4: {  	_ =	swait.ge [sflag:s22], s20  }
0xa5: {  	s5 =	ssub.s32 $0x0, s20;
	[sflag:s22] =	ssyncset.done $0x0  }
0xa6: {  	[sflag:s22] =	ssyncadd.s32 s5;
	_ =	sdelay $0x1  }
0xa7: {  	s23 =	simm.s32 $0x1B8B  }
0xa8: {  	_ =	swait.ge [sflag:s23], $0x1  }
0xa9: {  	[sflag:s23] =	ssyncset.done $0x0  }
0xaa: {  	s25 =	simm.s32 $0x1B8E;
	s24 =	sld [smem:$0x3FFE];
	[sflag:s23] =	ssyncadd.s32 $0xFFFFFFFF  }
0xab: {  	s26 =	simm.s32 $execute0_lowered;
	[smem:$0x3FD2] =	sst s25  }
0xac: {  	s6 =	sshll.u32 s26, $0x1;
	_ =	strace $0x80000046;
	[dreg:$0x1] =	wrdreg $0xFFFFFFFF  }
0xad: {  	s28 =	simm.s32 $_size_execute0_lowered;
	s4 =	sadd.s32 s4, s6;
	[dreg:$0x0] =	wrdreg $0x0  }
0xae: {  	s6 =	sshll.u32 s28, $0x1;
	[dreg:$0x2] =	wrdreg s4  }
0xaf: {  	[dreg:$0x3] =	wrdreg s6  }
0xb0: {  	[dreg:$0x4] =	wrdreg $0xC0  }
0xb1: {  	_ =	task [dreg:s8], $0x5FFFF  }
0xb2: {  	[dreg:$0x1] =	wrdreg $0xFFFFFFFF  }
0xb3: {  	[dreg:$0x0] =	wrdreg $0x60  }
0xb4: {  	[dreg:$0x2] =	wrdreg s15  }
0xb5: {  	[dreg:$0x3] =	wrdreg s16  }
0xb6: {  	[dreg:$0x4] =	wrdreg s24  }
0xb7: {  	[dreg:$0x5] =	wrdreg $0x90000  }
0xb8: {  	[dreg:$0x6] =	wrdreg $0x153500  }
0xb9: {  	[dreg:$0x7] =	wrdreg $0x9  }
0xba: {  	_ =	task.clear_ibuf [dreg:s8], $0x8FFFF;
	_ =	strace $0x90000046  }
0xbb: {  	s29 =	simm.s32 $0x9;
	_ =	strace $0x80000048  }
0xbc: {  	_ =	swait.ge [sflag:s29], $0x1  }
0xbd: {  	[sflag:s29] =	ssyncadd.s32 $0xFFFFFFFF  }
0xbe: {  	_ =	strace $0x90000048  }
0xbf: {  	_ =	sfence  }
0xc0: {  	s30 =	sld [smem:$0x0];
	_ =	sdelay $0x2  }
0xc1: {  	s31 =	sshll.u32 s1, $0xD;
	s1 =	sshrl.u32 s1, $0x2  }
0xc2: {  	s3 =	sand.u32 $0x4000, s31;
	s1 =	sadd.s32 s1, s30  }
0xc3: {  	s0 =	sor.u32 s3, s0;
	s1 =	sshll.u32 s1, $0x11  }
0xc4: {  	s0 =	sor.u32 s1, s0  }
0xc5: {  	s0 =	sadd.s32 $0x8F2B, s0  }
0xc6: {  	[sflag:s0] =	ssyncadd.remote.s32 $0x1  }
0xc7: {  	_ =	sfence.sel $0xFFFF  }
0xc8: {  	[dreg:$0x0] =	wrdreg $0xFFFFFFFF;
	(pc) =	sbr.abs _section_cstart, $3  }
0xc9: {  	[dreg:$0x1] =	wrdreg $0xFFFFFFFF  }
0xca: {  	_ =	task.clear_ibuf [dreg:s8], $0x2FFFF;
	_ =	strace $0x9FFFFFFF  }
0xcb: {  	(tm) =	ssettm $0x7FFFFFFF  }
tec
execute0_lowered:
.L_overlay_start_1:
0x0: {  	(tag) =	ssettag $0x1  }
0x1: {  	s6 =	rddreg [dreg:$0x0]  }
0x2: {  	s7 =	rddreg [dreg:$0x1]  }
0x3: {  	s4 =	rddreg [dreg:$0x2]  }
0x4: {  	s10 =	rddreg [dreg:$0x3]  }
0x5: {  	s3 =	rddreg [dreg:$0x4];
	s9 =	simm.s32 $0x0  }
0x6: {  	s29 =	simm.s32 $0x1400;
	[smem:$0x7FF] =	sst s9  }
0x7: {  	s30 =	simm.s32 $0x880;
	_ =	strace $0x80000047;
	[dreg:$0x8] =	wrdreg s29  }
0x8: {  	s1 =	simm.s32 $0x5400;
	[dreg:$0x9] =	wrdreg s30  }
0x9: {  	s9 =	simm.s32 $0x900;
	[dreg:$0xa] =	wrdreg s1  }
0xa: {  	s11 =	simm.s32 $0x5800;
	[dreg:$0xd] =	wrdreg s9  }
0xb: {  	s12 =	simm.s32 $0x180;
	[dreg:$0xe] =	wrdreg s11  }
0xc: {  	s13 =	simm.s32 $0x1C00;
	[dreg:$0xf] =	wrdreg s12  }
0xd: {  	s14 =	simm.s32 $0x980;
	[dreg:$0x10] =	wrdreg s13  }
0xe: {  	s15 =	simm.s32 $0x5C00;
	[dreg:$0x11] =	wrdreg s14  }
0xf: {  	s16 =	simm.s32 $0x200;
	[dreg:$0x12] =	wrdreg s15  }
0x10: {  	s17 =	simm.s32 $0x2000;
	[dreg:$0x13] =	wrdreg s16  }
0x11: {  	s18 =	simm.s32 $0xA00;
	[dreg:$0x14] =	wrdreg s17  }
0x12: {  	s19 =	simm.s32 $0x6000;
	[dreg:$0x15] =	wrdreg s18  }
0x13: {  	s20 =	simm.s32 $0x280;
	[dreg:$0x16] =	wrdreg s19  }
0x14: {  	s21 =	simm.s32 $0x2400;
	[dreg:$0x17] =	wrdreg s20  }
0x15: {  	s22 =	simm.s32 $0xA80;
	[dreg:$0x18] =	wrdreg s21  }
0x16: {  	s23 =	simm.s32 $0x6400;
	[dreg:$0x19] =	wrdreg s22  }
0x17: {  	s24 =	simm.s32 $0x300;
	[dreg:$0x1a] =	wrdreg s23  }
0x18: {  	s25 =	simm.s32 $0x2800;
	[dreg:$0x1b] =	wrdreg s24  }
0x19: {  	s26 =	simm.s32 $0xB00;
	[dreg:$0x1c] =	wrdreg s25  }
0x1a: {  	s28 =	simm.s32 $0x6800;
	[dreg:$0x1d] =	wrdreg s26  }
0x1b: {  	[dreg:$0x1e] =	wrdreg s28;
	s29 =	simm.s32 $0x380  }
0x1c: {  	s30 =	simm.s32 $0x2C00;
	[dreg:$0x1f] =	wrdreg s29  }
0x1d: {  	s1 =	simm.s32 $0xB80;
	[smem:$0x7E3] =	sst s30  }
0x1e: {  	s9 =	simm.s32 $0x3000;
	[smem:$0x7E4] =	sst s1  }
0x1f: {  	s12 =	sadd.s32 $0x186C00, s4;
	[smem:$0x7E7] =	sst s9  }
0x20: {  	s11 =	simm.s32 $0xC00;
	[smem:$0x7E8] =	sst s12  }
0x21: {  	s13 =	simm.s32 $0x7000;
	[smem:$0x7E9] =	sst s11  }
0x22: {  	s14 =	simm.s32 $0x480;
	[smem:$0x7EA] =	sst s13  }
0x23: {  	s15 =	simm.s32 $0x3400;
	[smem:$0x7EB] =	sst s14  }
0x24: {  	s17 =	simm.s32 $0xC80;
	[smem:$0x7EC] =	sst s15  }
0x25: {  	s2 =	srdreg.scid;
	s18 =	simm.s32 $0x7400;
	[smem:$0x7ED] =	sst s17  }
0x26: {  	s0 =	stileid.u32;
	s19 =	simm.s32 $0x500;
	[smem:$0x7EF] =	sst s18  }
0x27: {  	s31 =	simm.s32 $0x1;
	s20 =	simm.s32 $0x3800;
	[smem:$0x7F1] =	sst s19  }
0x28: {  	s2 =	sand.u32 $0x1, s2;
	s22 =	simm.s32 $0xD00;
	[smem:$0x7F3] =	sst s20  }
0x29: {  	s8 =	sshll.u32 s0, $0xF;
	s23 =	simm.s32 $0x7800;
	[smem:$0x7F4] =	sst s22  }
0x2a: {  	p0 =	sne.s32 s0, $0x0;
	s24 =	simm.s32 $0x580;
	[smem:$0x7F6] =	sst s23  }
0x2b: {  	s5 =	sshll.u32 s2, $0x13;
	s25 =	simm.s32 $0x3C00;
	[smem:$0x7F8] =	sst s24  }
0x2c: {  	s2 =	ssub.s32 $0x2, s2;
	s26 =	simm.s32 $0xD80;
	[smem:$0x7F9] =	sst s25  }
0x2d: {  	s28 =	simm.s32 $0x7C00;
	s5 =	sor.u32 s8, s5;
	[smem:$0x7FA] =	sst s26  }
0x2e: {  	s16 =	sshrl.u32 s2, $0x1;
	s13 =	simm.s32 $0x80;
	[smem:$0x7FB] =	sst s28  }
0x2f: {  	s29 =	simm.s32 $0x600;
	s30 =	simm.s32 $0x4000;
	s9 =	simm.s32 $0x8000  }
0x30: {  	s11 =	simm.s32 $0x680;
	s12 =	simm.s32 $0x4400;
	s14 =	simm.s32 $0xE80  }
0x31: {  	s15 =	simm.s32 $0x8400;
	s8 =	sshrl.u32 s5, $0x3;
	[smem:$0x7FC] =	sst s29  }
0x32: {  	s24 =	simm.s32 $0x700;
	[smem:$0x7FD] =	sst s30;
	s7 =	sadd.s32 s8, s7  }
0x33: {  	s18 =	simm.s32 $0xF00;
	s6 =	sadd.s32 s8, s6;
	[dreg:$0x6] =	wrdreg s7  }
0x34: {  	s2 =	ssub.s32 s2, s16;
	s8 =	simm.s32 $0x1800;
	[dreg:$0x7] =	wrdreg s6  }
0x35: {  	s5 =	sadd.s32 s5, s4;
	s2 =	smax.u32 s2, $0x1;
	[dreg:$0xc] =	wrdreg s8  }
0x36: {  	s19 =	simm.s32 $0x8800;
	s4 =	sadd.s32 $0x200, s5;
	[smem:$0x7EE] =	sst s2  }
0x37: {  	s20 =	simm.s32 $0x780;
	s21 =	sadd.s32 $0x19F400, s5;
	[smem:$0x7F0] =	sst s4  }
0x38: {  	s22 =	simm.s32 $0xF80;
	s7 =	simm.s32 $0x100;
	[smem:$0x7F2] =	sst s21  }
0x39: {  	s23 =	simm.s32 $0x8C00;
	s8 =	simm.s32 $0x400;
	[dreg:$0xb] =	wrdreg s7  }
0x3a: {  	s1 =	simm.s32 $0x0;
	s2 =	sshrl.u32 @!p0 s10, $0x3;
	[smem:$0x7E6] =	sst s8  }
0x3b: {  	s16 =	simm.s32 $0x4800;
	s7 =	simm.s32 $0x6C00;
	[smem:$0x7F5] =	sst s2  }
0x3c: {  	s21 =	simm.s32 $0x4C00;
	s2 =	sshrl.u32 @!p0 s3, $0x3;
	[smem:$0x7E5] =	sst s7  }
0x3d: {  	s8 =	simm.s32 $0xE00;
	[smem:$0x7F7] =	sst s2;
	s7 =	simm.s32 $0x800  }
.LBB2_1:
0x3e: {  	s2 =	sld [smem:$0x7E8]  }
0x3f: {  	s4 =	sld [smem:$0x7F5];
	_ =	sdelay $0x1  }
0x40: {  	[smem:$0x7E2] =	sst s1;
	s0 =	simm.s32 @!p0 $0x1C02  }
0x41: {  	[spmem:s4], [sflag:s0] =	dma.local @!p0 [hbm:s2], $0x186A0  }
0x42: {  	s2 =	simm.s32 @!p0 $0x2  }
0x43: {  	_ =	swait.ge @!p0 [sflag:s2], $0x186A0  }
0x44: {  	[sflag:s2] =	ssyncset.done @!p0 $0x0;
	s5 =	sld [smem:$0x7F7]  }
0x45: {  	[sflag:s2] =	ssyncadd.s32 @!p0 $0xFFFE7960  }
0x46: {  	s4 =	rddreg [dreg:$0x2]  }
0x47: {  	[spmem:s5], [sflag:s0] =	dma.local @!p0 [hbm:s4], $0x80  }
0x48: {  	_ =	swait.ge @!p0 [sflag:s2], $0x80  }
0x49: {  	[sflag:s2] =	ssyncset.done @!p0 $0x0  }
0x4a: {  	[sflag:s2] =	ssyncadd.s32 @!p0 $0xFFFFFF80  }
0x4b: {  	[bflag:$0x0] =	sbarrier.arrive $0xFFFF  }
0x4c: {  	s1 =	rddreg [dreg:$0x7]  }
0x4d: {  	s17 =	simm.s32 $0x2;
	s2 =	simm.s32 $0x0;
	s0 =	sadd.s32 $0x0, s1  }
0x4e: {  	[tilespmem:s2], [sflag:$0x2] =	stream.linear.gather [hbm4b:s0+s2], $0x800, $0x38;
	[tilespmem:$0x15390] =	vst v63  }
0x4f: {  	_ =	swait.ge [sflag:s17], $0x800  }
0x50: {  	s25 =	rddreg [dreg:$0x6];
	[sflag:s17] =	ssyncset.done $0x0  }
0x51: {  	[sflag:s17] =	ssyncadd.s32 $0xFFFFF800;
	s0 =	sadd.s32 $0x0, s25  }
0x52: {  	[tilespmem:s7], [sflag:$0x2] =	stream.linear.gather [hbm4b:s0+s2], $0x800, $0x38;
	[tilespmem:$0x15390] =	vst v63  }
0x53: {  	_ =	swait.ge [sflag:s17], $0x800  }
0x54: {  	s0 =	sld [smem:$0x7FD]  }
0x55: {  	s26 =	rddreg [dreg:$0x8]  }
0x56: {  	s28 =	rddreg [dreg:$0xa]  }
0x57: {  	s29 =	rddreg [dreg:$0xc]  }
0x58: {  	s1 =	rddreg [dreg:$0x9]  }
0x59: {  	[sflag:s17] =	ssyncset.done $0x0;
	s4 =	rddreg [dreg:$0xb]  }
0x5a: {  	s6 =	simm.s32 $0x1000;
	s25 =	rddreg [dreg:$0xd];
	[sflag:s17] =	ssyncadd.s32 $0xFFFFF800  }
0x5b: {  	[tilespmem:s6], [sflag:$0x1] =	stream.indirect.gather [spmem:s10], $0x8, s2, s13, $0xb8;
	[tilespmem:$0x15390] =	vst v63  }
0x5c: {  	s30 =	simm.s32 $0x5000;
	s17 =	rddreg [dreg:$0xe]  }
0x5d: {  	[tilespmem:s30], [sflag:$0x1] =	stream.indirect.gather [spmem:s3], $0x8, s7, s13, $0xb8;
	[tilespmem:$0x15390] =	vst v63  }
0x5e: {  	s30 =	rddreg [dreg:$0x11]  }
0x5f: {  	s7 =	sld [smem:$0x7F6]  }
0x60: {  	[tilespmem:s26], [sflag:$0x1] =	stream.indirect.gather [spmem:s10], $0x8, s13, s13, $0xb8;
	[tilespmem:$0x15390] =	vst v63  }
0x61: {  	s26 =	rddreg [dreg:$0x10]  }
0x62: {  	[tilespmem:s28], [sflag:$0x1] =	stream.indirect.gather [spmem:s3], $0x8, s1, s13, $0xb8;
	[tilespmem:$0x15390] =	vst v63  }
0x63: {  	s28 =	rddreg [dreg:$0xf]  }
0x64: {  	s1 =	rddreg [dreg:$0x14]  }
0x65: {  	[tilespmem:s29], [sflag:$0x1] =	stream.indirect.gather [spmem:s10], $0x8, s4, s13, $0xb8;
	[tilespmem:$0x15390] =	vst v63  }
0x66: {  	s29 =	rddreg [dreg:$0x12]  }
0x67: {  	s4 =	rddreg [dreg:$0x13]  }
0x68: {  	[tilespmem:s17], [sflag:$0x1] =	stream.indirect.gather [spmem:s3], $0x8, s25, s13, $0xb8;
	[tilespmem:$0x15390] =	vst v63  }
0x69: {  	s17 =	rddreg [dreg:$0x16]  }
0x6a: {  	s25 =	rddreg [dreg:$0x15]  }
0x6b: {  	[tilespmem:s26], [sflag:$0x1] =	stream.indirect.gather [spmem:s10], $0x8, s28, s13, $0xb8;
	[tilespmem:$0x15390] =	vst v63  }
0x6c: {  	s26 =	rddreg [dreg:$0x18]  }
0x6d: {  	s28 =	rddreg [dreg:$0x17]  }
0x6e: {  	[tilespmem:s29], [sflag:$0x1] =	stream.indirect.gather [spmem:s3], $0x8, s30, s13, $0xb8;
	[tilespmem:$0x15390] =	vst v63  }
0x6f: {  	s29 =	rddreg [dreg:$0x1a]  }
0x70: {  	s30 =	rddreg [dreg:$0x19]  }
0x71: {  	[tilespmem:s1], [sflag:$0x1] =	stream.indirect.gather [spmem:s10], $0x8, s4, s13, $0xb8;
	[tilespmem:$0x15390] =	vst v63  }
0x72: {  	s1 =	rddreg [dreg:$0x1c]  }
0x73: {  	s4 =	rddreg [dreg:$0x1b]  }
0x74: {  	[tilespmem:s17], [sflag:$0x1] =	stream.indirect.gather [spmem:s3], $0x8, s25, s13, $0xb8;
	[tilespmem:$0x15390] =	vst v63  }
0x75: {  	s17 =	rddreg [dreg:$0x1e]  }
0x76: {  	s25 =	rddreg [dreg:$0x1d]  }
0x77: {  	[tilespmem:s26], [sflag:$0x1] =	stream.indirect.gather [spmem:s10], $0x8, s28, s13, $0xb8;
	[tilespmem:$0x15390] =	vst v63  }
0x78: {  	s26 =	sld [smem:$0x7E3]  }
0x79: {  	s28 =	rddreg [dreg:$0x1f]  }
0x7a: {  	[tilespmem:s29], [sflag:$0x1] =	stream.indirect.gather [spmem:s3], $0x8, s30, s13, $0xb8;
	[tilespmem:$0x15390] =	vst v63  }
0x7b: {  	s29 =	sld [smem:$0x7E5]  }
0x7c: {  	s30 =	sld [smem:$0x7E4]  }
0x7d: {  	[tilespmem:s1], [sflag:$0x1] =	stream.indirect.gather [spmem:s10], $0x8, s4, s13, $0xb8;
	[tilespmem:$0x15390] =	vst v63  }
0x7e: {  	s1 =	sld [smem:$0x7E7]  }
0x7f: {  	s4 =	sld [smem:$0x7E6]  }
0x80: {  	[tilespmem:s17], [sflag:$0x1] =	stream.indirect.gather [spmem:s3], $0x8, s25, s13, $0xb8;
	[tilespmem:$0x15390] =	vst v63  }
0x81: {  	s17 =	sld [smem:$0x7EA]  }
0x82: {  	s25 =	sld [smem:$0x7E9]  }
0x83: {  	[tilespmem:s26], [sflag:$0x1] =	stream.indirect.gather [spmem:s10], $0x8, s28, s13, $0xb8;
	[tilespmem:$0x15390] =	vst v63  }
0x84: {  	s26 =	sld [smem:$0x7EC]  }
0x85: {  	s28 =	sld [smem:$0x7EB]  }
0x86: {  	[tilespmem:s29], [sflag:$0x1] =	stream.indirect.gather [spmem:s3], $0x8, s30, s13, $0xb8;
	[tilespmem:$0x15390] =	vst v63  }
0x87: {  	s29 =	sld [smem:$0x7EF]  }
0x88: {  	s30 =	sld [smem:$0x7ED]  }
0x89: {  	[tilespmem:s1], [sflag:$0x1] =	stream.indirect.gather [spmem:s10], $0x8, s4, s13, $0xb8;
	[tilespmem:$0x15390] =	vst v63  }
0x8a: {  	s1 =	sld [smem:$0x7F3]  }
0x8b: {  	s4 =	sld [smem:$0x7F1]  }
0x8c: {  	[tilespmem:s17], [sflag:$0x1] =	stream.indirect.gather [spmem:s3], $0x8, s25, s13, $0xb8;
	[tilespmem:$0x15390] =	vst v63  }
0x8d: {  	s17 =	sld [smem:$0x7F4]  }
0x8e: {  	[tilespmem:s26], [sflag:$0x1] =	stream.indirect.gather [spmem:s10], $0x8, s28, s13, $0xb8;
	[tilespmem:$0x15390] =	vst v63  }
0x8f: {  	s25 =	sld [smem:$0x7F9]  }
0x90: {  	[tilespmem:s29], [sflag:$0x1] =	stream.indirect.gather [spmem:s3], $0x8, s30, s13, $0xb8;
	[tilespmem:$0x15390] =	vst v63  }
0x91: {  	s26 =	sld [smem:$0x7F8]  }
0x92: {  	[tilespmem:s1], [sflag:$0x1] =	stream.indirect.gather [spmem:s10], $0x8, s4, s13, $0xb8;
	[tilespmem:$0x15390] =	vst v63  }
0x93: {  	s28 =	sld [smem:$0x7FB]  }
0x94: {  	[tilespmem:s7], [sflag:$0x1] =	stream.indirect.gather [spmem:s3], $0x8, s17, s13, $0xb8;
	[tilespmem:$0x15390] =	vst v63  }
0x95: {  	s29 =	sld [smem:$0x7FA]  }
0x96: {  	[tilespmem:s25], [sflag:$0x1] =	stream.indirect.gather [spmem:s10], $0x8, s26, s13, $0xb8;
	[tilespmem:$0x15390] =	vst v63  }
0x97: {  	s30 =	sld [smem:$0x7FC]  }
0x98: {  	[tilespmem:s28], [sflag:$0x1] =	stream.indirect.gather [spmem:s3], $0x8, s29, s13, $0xb8;
	[tilespmem:$0x15390] =	vst v63  }
0x99: {  	_ = 	snop  }
0x9a: {  	[tilespmem:s0], [sflag:$0x1] =	stream.indirect.gather [spmem:s10], $0x8, s30, s13, $0xb8;
	[tilespmem:$0x15390] =	vst v63  }
0x9b: {  	_ = 	snop  }
0x9c: {  	[tilespmem:s9], [sflag:$0x1] =	stream.indirect.gather [spmem:s3], $0x8, s8, s13, $0xb8;
	[tilespmem:$0x15390] =	vst v63  }
0x9d: {  	_ = 	snop  }
0x9e: {  	[tilespmem:s12], [sflag:$0x1] =	stream.indirect.gather [spmem:s10], $0x8, s11, s13, $0xb8;
	[tilespmem:$0x15390] =	vst v63  }
0x9f: {  	_ = 	snop  }
0xa0: {  	[tilespmem:s15], [sflag:$0x1] =	stream.indirect.gather [spmem:s3], $0x8, s14, s13, $0xb8;
	[tilespmem:$0x15390] =	vst v63  }
0xa1: {  	_ = 	snop  }
0xa2: {  	[tilespmem:s16], [sflag:$0x1] =	stream.indirect.gather [spmem:s10], $0x8, s24, s13, $0xb8;
	[tilespmem:$0x15390] =	vst v63  }
0xa3: {  	_ = 	snop  }
0xa4: {  	[tilespmem:s19], [sflag:$0x1] =	stream.indirect.gather [spmem:s3], $0x8, s18, s13, $0xb8;
	[tilespmem:$0x15390] =	vst v63  }
0xa5: {  	_ = 	snop  }
0xa6: {  	[tilespmem:s21], [sflag:$0x1] =	stream.indirect.gather [spmem:s10], $0x8, s20, s13, $0xb8;
	[tilespmem:$0x15390] =	vst v63  }
0xa7: {  	_ = 	snop  }
0xa8: {  	[tilespmem:s23], [sflag:$0x1] =	stream.indirect.gather [spmem:s3], $0x8, s22, s13, $0xb8;
	[tilespmem:$0x15390] =	vst v63  }
0xa9: {  	_ =	swait.ge [sflag:s31], $0x400  }
0xaa: {  	[sflag:s31] =	ssyncset.done $0x0  }
0xab: {  	[sflag:s31] =	ssyncadd.s32 $0xFFFFFC00  }
0xac: {  	_ =	swait.ge [sflag:s31], $0x400  }
0xad: {  	[sflag:s31] =	ssyncset.done $0x0  }
0xae: {  	[sflag:s31] =	ssyncadd.s32 $0xFFFFFC00  }
0xaf: {  	_ =	swait.ge [sflag:s31], $0x400  }
0xb0: {  	[sflag:s31] =	ssyncset.done $0x0  }
0xb1: {  	[sflag:s31] =	ssyncadd.s32 $0xFFFFFC00  }
0xb2: {  	_ =	swait.ge [sflag:s31], $0x400  }
0xb3: {  	[sflag:s31] =	ssyncset.done $0x0  }
0xb4: {  	[sflag:s31] =	ssyncadd.s32 $0xFFFFFC00  }
0xb5: {  	_ =	swait.ge [sflag:s31], $0x400  }
0xb6: {  	[sflag:s31] =	ssyncset.done $0x0  }
0xb7: {  	[sflag:s31] =	ssyncadd.s32 $0xFFFFFC00  }
0xb8: {  	_ =	swait.ge [sflag:s31], $0x400  }
0xb9: {  	[sflag:s31] =	ssyncset.done $0x0  }
0xba: {  	[sflag:s31] =	ssyncadd.s32 $0xFFFFFC00  }
0xbb: {  	_ =	swait.ge [sflag:s31], $0x400  }
0xbc: {  	[sflag:s31] =	ssyncset.done $0x0  }
0xbd: {  	[sflag:s31] =	ssyncadd.s32 $0xFFFFFC00  }
0xbe: {  	_ =	swait.ge [sflag:s31], $0x400  }
0xbf: {  	[sflag:s31] =	ssyncset.done $0x0  }
0xc0: {  	[sflag:s31] =	ssyncadd.s32 $0xFFFFFC00  }
0xc1: {  	_ =	swait.ge [sflag:s31], $0x400  }
0xc2: {  	[sflag:s31] =	ssyncset.done $0x0  }
0xc3: {  	[sflag:s31] =	ssyncadd.s32 $0xFFFFFC00  }
0xc4: {  	_ =	swait.ge [sflag:s31], $0x400  }
0xc5: {  	[sflag:s31] =	ssyncset.done $0x0  }
0xc6: {  	[sflag:s31] =	ssyncadd.s32 $0xFFFFFC00  }
0xc7: {  	_ =	swait.ge [sflag:s31], $0x400  }
0xc8: {  	[sflag:s31] =	ssyncset.done $0x0  }
0xc9: {  	[sflag:s31] =	ssyncadd.s32 $0xFFFFFC00  }
0xca: {  	_ =	swait.ge [sflag:s31], $0x400  }
0xcb: {  	[sflag:s31] =	ssyncset.done $0x0  }
0xcc: {  	[sflag:s31] =	ssyncadd.s32 $0xFFFFFC00  }
0xcd: {  	_ =	swait.ge [sflag:s31], $0x400  }
0xce: {  	[sflag:s31] =	ssyncset.done $0x0  }
0xcf: {  	[sflag:s31] =	ssyncadd.s32 $0xFFFFFC00  }
0xd0: {  	_ =	swait.ge [sflag:s31], $0x400  }
0xd1: {  	[sflag:s31] =	ssyncset.done $0x0  }
0xd2: {  	[sflag:s31] =	ssyncadd.s32 $0xFFFFFC00  }
0xd3: {  	_ =	swait.ge [sflag:s31], $0x400  }
0xd4: {  	[sflag:s31] =	ssyncset.done $0x0  }
0xd5: {  	[sflag:s31] =	ssyncadd.s32 $0xFFFFFC00  }
0xd6: {  	_ =	swait.ge [sflag:s31], $0x400  }
0xd7: {  	[sflag:s31] =	ssyncset.done $0x0  }
0xd8: {  	[sflag:s31] =	ssyncadd.s32 $0xFFFFFC00  }
0xd9: {  	_ =	swait.ge [sflag:s31], $0x400  }
0xda: {  	[sflag:s31] =	ssyncset.done $0x0  }
0xdb: {  	[sflag:s31] =	ssyncadd.s32 $0xFFFFFC00  }
0xdc: {  	_ =	swait.ge [sflag:s31], $0x400  }
0xdd: {  	[sflag:s31] =	ssyncset.done $0x0  }
0xde: {  	[sflag:s31] =	ssyncadd.s32 $0xFFFFFC00  }
0xdf: {  	_ =	swait.ge [sflag:s31], $0x400  }
0xe0: {  	[sflag:s31] =	ssyncset.done $0x0  }
0xe1: {  	[sflag:s31] =	ssyncadd.s32 $0xFFFFFC00  }
0xe2: {  	_ =	swait.ge [sflag:s31], $0x400  }
0xe3: {  	[sflag:s31] =	ssyncset.done $0x0  }
0xe4: {  	[sflag:s31] =	ssyncadd.s32 $0xFFFFFC00  }
0xe5: {  	_ =	swait.ge [sflag:s31], $0x400  }
0xe6: {  	[sflag:s31] =	ssyncset.done $0x0  }
0xe7: {  	[sflag:s31] =	ssyncadd.s32 $0xFFFFFC00  }
0xe8: {  	_ =	swait.ge [sflag:s31], $0x400  }
0xe9: {  	[sflag:s31] =	ssyncset.done $0x0  }
0xea: {  	[sflag:s31] =	ssyncadd.s32 $0xFFFFFC00  }
0xeb: {  	_ =	swait.ge [sflag:s31], $0x400  }
0xec: {  	[sflag:s31] =	ssyncset.done $0x0  }
0xed: {  	[sflag:s31] =	ssyncadd.s32 $0xFFFFFC00  }
0xee: {  	_ =	swait.ge [sflag:s31], $0x400  }
0xef: {  	[sflag:s31] =	ssyncset.done $0x0  }
0xf0: {  	[sflag:s31] =	ssyncadd.s32 $0xFFFFFC00  }
0xf1: {  	_ =	swait.ge [sflag:s31], $0x400  }
0xf2: {  	[sflag:s31] =	ssyncset.done $0x0  }
0xf3: {  	[sflag:s31] =	ssyncadd.s32 $0xFFFFFC00  }
0xf4: {  	_ =	swait.ge [sflag:s31], $0x400  }
0xf5: {  	[sflag:s31] =	ssyncset.done $0x0  }
0xf6: {  	[sflag:s31] =	ssyncadd.s32 $0xFFFFFC00  }
0xf7: {  	_ =	swait.ge [sflag:s31], $0x400  }
0xf8: {  	[sflag:s31] =	ssyncset.done $0x0  }
0xf9: {  	[sflag:s31] =	ssyncadd.s32 $0xFFFFFC00  }
0xfa: {  	_ =	swait.ge [sflag:s31], $0x400  }
0xfb: {  	s1 =	sld [smem:$0x7F0]  }
0xfc: {  	s5 =	sld [smem:$0x7F2];
	_ =	sdelay $0x1  }
0xfd: {  	s6 =	simm.s32 $0x100  }
0xfe: {  	[sflag:s31] =	ssyncset.done $0x0;
	s17 =	smov.u32 s1;
	s0 =	smov.u32 s5  }
.LBB2_2:
0xff: {  	[sflag:s31] =	ssyncadd.s32 $0xFFFFFC00  }
0x100: {  	_ =	swait.ge [sflag:s31], $0x400  }
0x101: {  	[sflag:s31] =	ssyncset.done $0x0  }
0x102: {  	[sflag:s31] =	ssyncadd.s32 $0xFFFFFC00  }
0x103: {  	_ =	swait.ge [sflag:s31], $0x400  }
0x104: {  	[sflag:s31] =	ssyncset.done $0x0  }
0x105: {  	[sflag:s31] =	ssyncadd.s32 $0xFFFFFC00  }
0x106: {  	_ =	swait.ge [sflag:s31], $0x400  }
0x107: {  	[sflag:s31] =	ssyncset.done $0x0  }
0x108: {  	[sflag:s31] =	ssyncadd.s32 $0xFFFFFC00  }
0x109: {  	_ =	swait.ge [sflag:s31], $0x400  }
0x10a: {  	s7 =	simm.s32 $0x0;
	[sflag:s31] =	ssyncset.done $0x0  }
0x10b: {  	s8 =	simm.s32 $0x1000;
	s4 =	simm.s32 $0x2;
	[sflag:s31] =	ssyncadd.s32 $0xFFFFFC00  }
0x10c: {  	[hbm4b:s1+s7] =	stream.linear.scatter [tilespmem:s8], [sflag:$0x2], $0x4000, $0x38;
	[tilespmem:$0x15390] =	vst v63  }
0x10d: {  	_ =	swait.ge [sflag:s4], $0x4000  }
0x10e: {  	[sflag:s4] =	ssyncset.done $0x0  }
0x10f: {  	s9 =	simm.s32 $0x5000;
	[sflag:s4] =	ssyncadd.s32 $0xFFFFC000  }
0x110: {  	[hbm4b:s5+s7] =	stream.linear.scatter [tilespmem:s9], [sflag:$0x2], $0x4000, $0x38;
	[tilespmem:$0x15390] =	vst v63  }
0x111: {  	_ =	swait.ge [sflag:s4], $0x4000  }
0x112: {  	s2 =	smov.u32 s6;
	s30 =	rddreg [dreg:$0x7];
	[sflag:s4] =	ssyncset.done $0x0  }
0x113: {  	[sflag:s4] =	ssyncadd.s32 $0xFFFFC000;
	s9 =	sadd.s32 s2, s30  }
0x114: {  	[tilespmem:s7], [sflag:$0x2] =	stream.linear.gather [hbm4b:s9+s7], $0x800, $0x38;
	[tilespmem:$0x15390] =	vst v63  }
0x115: {  	_ =	swait.ge [sflag:s4], $0x800  }
0x116: {  	s11 =	rddreg [dreg:$0x6];
	[sflag:s4] =	ssyncset.done $0x0  }
0x117: {  	s16 =	simm.s32 $0x800;
	[sflag:s4] =	ssyncadd.s32 $0xFFFFF800;
	s2 =	sadd.s32 s2, s11  }
0x118: {  	[tilespmem:s16], [sflag:$0x2] =	stream.linear.gather [hbm4b:s2+s7], $0x800, $0x38;
	[tilespmem:$0x15390] =	vst v63  }
0x119: {  	_ =	swait.ge [sflag:s4], $0x800  }
0x11a: {  	s12 =	sld [smem:$0x7FD]  }
0x11b: {  	s14 =	sld [smem:$0x7FB]  }
0x11c: {  	s15 =	sld [smem:$0x7F9]  }
0x11d: {  	s9 =	sld [smem:$0x7F6]  }
0x11e: {  	s2 =	sld [smem:$0x7F3]  }
0x11f: {  	s18 =	sld [smem:$0x7EF]  }
0x120: {  	s19 =	sld [smem:$0x7EC]  }
0x121: {  	s20 =	sld [smem:$0x7EA]  }
0x122: {  	s21 =	sld [smem:$0x7E7]  }
0x123: {  	s22 =	sld [smem:$0x7E5]  }
0x124: {  	s23 =	sld [smem:$0x7E3]  }
0x125: {  	s24 =	rddreg [dreg:$0x1e]  }
0x126: {  	s25 =	rddreg [dreg:$0x1c]  }
0x127: {  	s26 =	rddreg [dreg:$0x1a]  }
0x128: {  	s28 =	rddreg [dreg:$0x18]  }
0x129: {  	s29 =	rddreg [dreg:$0x16]  }
0x12a: {  	s30 =	rddreg [dreg:$0x14]  }
0x12b: {  	[sflag:s4] =	ssyncset.done $0x0;
	s11 =	rddreg [dreg:$0xc]  }
0x12c: {  	[sflag:s4] =	ssyncadd.s32 $0xFFFFF800;
	s4 =	rddreg [dreg:$0xa]  }
0x12d: {  	[tilespmem:s8], [sflag:$0x1] =	stream.indirect.gather [spmem:s10], $0x8, s7, s13, $0xb8;
	[tilespmem:$0x15390] =	vst v63  }
0x12e: {  	s8 =	rddreg [dreg:$0xe]  }
0x12f: {  	[smem:$0x7E1] =	sst s12  }
0x130: {  	[smem:$0x7E0] =	sst s14  }
0x131: {  	[smem:$0x7DF] =	sst s15  }
0x132: {  	s12 =	rddreg [dreg:$0x12]  }
0x133: {  	s14 =	rddreg [dreg:$0x10]  }
0x134: {  	s7 =	simm.s32 $0x5000;
	s15 =	rddreg [dreg:$0x8]  }
0x135: {  	[tilespmem:s7], [sflag:$0x1] =	stream.indirect.gather [spmem:s3], $0x8, s16, s13, $0xb8;
	[tilespmem:$0x15390] =	vst v63  }
0x136: {  	s16 =	rddreg [dreg:$0x9]  }
0x137: {  	[tilespmem:s15], [sflag:$0x1] =	stream.indirect.gather [spmem:s10], $0x8, s13, s13, $0xb8;
	[tilespmem:$0x15390] =	vst v63  }
0x138: {  	s7 =	rddreg [dreg:$0xf]  }
0x139: {  	[tilespmem:s4], [sflag:$0x1] =	stream.indirect.gather [spmem:s3], $0x8, s16, s13, $0xb8;
	[tilespmem:$0x15390] =	vst v63  }
0x13a: {  	s15 =	rddreg [dreg:$0xb]  }
0x13b: {  	[tilespmem:s11], [sflag:$0x1] =	stream.indirect.gather [spmem:s10], $0x8, s15, s13, $0xb8;
	[tilespmem:$0x15390] =	vst v63  }
0x13c: {  	s16 =	rddreg [dreg:$0xd]  }
0x13d: {  	[tilespmem:s8], [sflag:$0x1] =	stream.indirect.gather [spmem:s3], $0x8, s16, s13, $0xb8;
	[tilespmem:$0x15390] =	vst v63  }
0x13e: {  	s16 =	rddreg [dreg:$0x11]  }
0x13f: {  	[tilespmem:s14], [sflag:$0x1] =	stream.indirect.gather [spmem:s10], $0x8, s7, s13, $0xb8;
	[tilespmem:$0x15390] =	vst v63  }
0x140: {  	s7 =	rddreg [dreg:$0x13]  }
0x141: {  	[tilespmem:s12], [sflag:$0x1] =	stream.indirect.gather [spmem:s3], $0x8, s16, s13, $0xb8;
	[tilespmem:$0x15390] =	vst v63  }
0x142: {  	s16 =	rddreg [dreg:$0x15]  }
0x143: {  	[tilespmem:s30], [sflag:$0x1] =	stream.indirect.gather [spmem:s10], $0x8, s7, s13, $0xb8;
	[tilespmem:$0x15390] =	vst v63  }
0x144: {  	s30 =	rddreg [dreg:$0x17]  }
0x145: {  	[tilespmem:s29], [sflag:$0x1] =	stream.indirect.gather [spmem:s3], $0x8, s16, s13, $0xb8;
	[tilespmem:$0x15390] =	vst v63  }
0x146: {  	s16 =	rddreg [dreg:$0x19]  }
0x147: {  	s29 =	rddreg [dreg:$0x1d]  }
0x148: {  	[tilespmem:s28], [sflag:$0x1] =	stream.indirect.gather [spmem:s10], $0x8, s30, s13, $0xb8;
	[tilespmem:$0x15390] =	vst v63  }
0x149: {  	s28 =	rddreg [dreg:$0x1b]  }
0x14a: {  	s30 =	rddreg [dreg:$0x1f]  }
0x14b: {  	[tilespmem:s26], [sflag:$0x1] =	stream.indirect.gather [spmem:s3], $0x8, s16, s13, $0xb8;
	[tilespmem:$0x15390] =	vst v63  }
0x14c: {  	s16 =	sld [smem:$0x7E4]  }
0x14d: {  	s26 =	sld [smem:$0x7EB]  }
0x14e: {  	[tilespmem:s25], [sflag:$0x1] =	stream.indirect.gather [spmem:s10], $0x8, s28, s13, $0xb8;
	[tilespmem:$0x15390] =	vst v63  }
0x14f: {  	s25 =	sld [smem:$0x7E9]  }
0x150: {  	[tilespmem:s24], [sflag:$0x1] =	stream.indirect.gather [spmem:s3], $0x8, s29, s13, $0xb8;
	[tilespmem:$0x15390] =	vst v63  }
0x151: {  	s28 =	sld [smem:$0x7ED]  }
0x152: {  	[tilespmem:s23], [sflag:$0x1] =	stream.indirect.gather [spmem:s10], $0x8, s30, s13, $0xb8;
	[tilespmem:$0x15390] =	vst v63  }
0x153: {  	s24 =	sld [smem:$0x7E6]  }
0x154: {  	[tilespmem:s22], [sflag:$0x1] =	stream.indirect.gather [spmem:s3], $0x8, s16, s13, $0xb8;
	[tilespmem:$0x15390] =	vst v63  }
0x155: {  	s29 =	sld [smem:$0x7F1]  }
0x156: {  	[tilespmem:s21], [sflag:$0x1] =	stream.indirect.gather [spmem:s10], $0x8, s24, s13, $0xb8;
	[tilespmem:$0x15390] =	vst v63  }
0x157: {  	s30 =	sld [smem:$0x7F4]  }
0x158: {  	[tilespmem:s20], [sflag:$0x1] =	stream.indirect.gather [spmem:s3], $0x8, s25, s13, $0xb8;
	[tilespmem:$0x15390] =	vst v63  }
0x159: {  	s25 =	sld [smem:$0x7FA]  }
0x15a: {  	[tilespmem:s19], [sflag:$0x1] =	stream.indirect.gather [spmem:s10], $0x8, s26, s13, $0xb8;
	[tilespmem:$0x15390] =	vst v63  }
0x15b: {  	s26 =	sld [smem:$0x7DF]  }
0x15c: {  	[tilespmem:s18], [sflag:$0x1] =	stream.indirect.gather [spmem:s3], $0x8, s28, s13, $0xb8;
	[tilespmem:$0x15390] =	vst v63  }
0x15d: {  	s28 =	sld [smem:$0x7FC]  }
0x15e: {  	[tilespmem:s2], [sflag:$0x1] =	stream.indirect.gather [spmem:s10], $0x8, s29, s13, $0xb8;
	[tilespmem:$0x15390] =	vst v63  }
0x15f: {  	s2 =	sld [smem:$0x7F8]  }
0x160: {  	[tilespmem:s9], [sflag:$0x1] =	stream.indirect.gather [spmem:s3], $0x8, s30, s13, $0xb8;
	[tilespmem:$0x15390] =	vst v63  }
0x161: {  	s29 =	sld [smem:$0x7E0]  }
0x162: {  	[tilespmem:s26], [sflag:$0x1] =	stream.indirect.gather [spmem:s10], $0x8, s2, s13, $0xb8;
	[tilespmem:$0x15390] =	vst v63  }
0x163: {  	s30 =	sld [smem:$0x7E1]  }
0x164: {  	[tilespmem:s29], [sflag:$0x1] =	stream.indirect.gather [spmem:s3], $0x8, s25, s13, $0xb8;
	[tilespmem:$0x15390] =	vst v63  }
0x165: {  	_ = 	snop  }
0x166: {  	[tilespmem:s30], [sflag:$0x1] =	stream.indirect.gather [spmem:s10], $0x8, s28, s13, $0xb8;
	[tilespmem:$0x15390] =	vst v63  }
0x167: {  	s8 =	simm.s32 $0xE00;
	s9 =	simm.s32 $0x8000  }
0x168: {  	[tilespmem:s9], [sflag:$0x1] =	stream.indirect.gather [spmem:s3], $0x8, s8, s13, $0xb8;
	[tilespmem:$0x15390] =	vst v63  }
0x169: {  	s11 =	simm.s32 $0x680;
	s12 =	simm.s32 $0x4400  }
0x16a: {  	[tilespmem:s12], [sflag:$0x1] =	stream.indirect.gather [spmem:s10], $0x8, s11, s13, $0xb8;
	[tilespmem:$0x15390] =	vst v63  }
0x16b: {  	s15 =	simm.s32 $0x8400;
	s14 =	simm.s32 $0xE80  }
0x16c: {  	[tilespmem:s15], [sflag:$0x1] =	stream.indirect.gather [spmem:s3], $0x8, s14, s13, $0xb8;
	[tilespmem:$0x15390] =	vst v63  }
0x16d: {  	s16 =	simm.s32 $0x4800;
	s24 =	simm.s32 $0x700  }
0x16e: {  	[tilespmem:s16], [sflag:$0x1] =	stream.indirect.gather [spmem:s10], $0x8, s24, s13, $0xb8;
	[tilespmem:$0x15390] =	vst v63  }
0x16f: {  	s19 =	simm.s32 $0x8800;
	s18 =	simm.s32 $0xF00  }
0x170: {  	[tilespmem:s19], [sflag:$0x1] =	stream.indirect.gather [spmem:s3], $0x8, s18, s13, $0xb8;
	[tilespmem:$0x15390] =	vst v63  }
0x171: {  	s21 =	simm.s32 $0x4C00;
	s20 =	simm.s32 $0x780  }
0x172: {  	[tilespmem:s21], [sflag:$0x1] =	stream.indirect.gather [spmem:s10], $0x8, s20, s13, $0xb8;
	[tilespmem:$0x15390] =	vst v63  }
0x173: {  	s23 =	simm.s32 $0x8C00;
	s22 =	simm.s32 $0xF80  }
0x174: {  	[tilespmem:s23], [sflag:$0x1] =	stream.indirect.gather [spmem:s3], $0x8, s22, s13, $0xb8;
	[tilespmem:$0x15390] =	vst v63  }
0x175: {  	_ =	swait.ge [sflag:s31], $0x400  }
0x176: {  	[sflag:s31] =	ssyncset.done $0x0  }
0x177: {  	[sflag:s31] =	ssyncadd.s32 $0xFFFFFC00  }
0x178: {  	_ =	swait.ge [sflag:s31], $0x400  }
0x179: {  	[sflag:s31] =	ssyncset.done $0x0  }
0x17a: {  	[sflag:s31] =	ssyncadd.s32 $0xFFFFFC00  }
0x17b: {  	_ =	swait.ge [sflag:s31], $0x400  }
0x17c: {  	[sflag:s31] =	ssyncset.done $0x0  }
0x17d: {  	[sflag:s31] =	ssyncadd.s32 $0xFFFFFC00  }
0x17e: {  	_ =	swait.ge [sflag:s31], $0x400  }
0x17f: {  	[sflag:s31] =	ssyncset.done $0x0  }
0x180: {  	[sflag:s31] =	ssyncadd.s32 $0xFFFFFC00  }
0x181: {  	_ =	swait.ge [sflag:s31], $0x400  }
0x182: {  	[sflag:s31] =	ssyncset.done $0x0  }
0x183: {  	[sflag:s31] =	ssyncadd.s32 $0xFFFFFC00  }
0x184: {  	_ =	swait.ge [sflag:s31], $0x400  }
0x185: {  	[sflag:s31] =	ssyncset.done $0x0  }
0x186: {  	[sflag:s31] =	ssyncadd.s32 $0xFFFFFC00  }
0x187: {  	_ =	swait.ge [sflag:s31], $0x400  }
0x188: {  	[sflag:s31] =	ssyncset.done $0x0  }
0x189: {  	[sflag:s31] =	ssyncadd.s32 $0xFFFFFC00  }
0x18a: {  	_ =	swait.ge [sflag:s31], $0x400  }
0x18b: {  	[sflag:s31] =	ssyncset.done $0x0  }
0x18c: {  	[sflag:s31] =	ssyncadd.s32 $0xFFFFFC00  }
0x18d: {  	_ =	swait.ge [sflag:s31], $0x400  }
0x18e: {  	[sflag:s31] =	ssyncset.done $0x0  }
0x18f: {  	[sflag:s31] =	ssyncadd.s32 $0xFFFFFC00  }
0x190: {  	_ =	swait.ge [sflag:s31], $0x400  }
0x191: {  	[sflag:s31] =	ssyncset.done $0x0  }
0x192: {  	[sflag:s31] =	ssyncadd.s32 $0xFFFFFC00  }
0x193: {  	_ =	swait.ge [sflag:s31], $0x400  }
0x194: {  	[sflag:s31] =	ssyncset.done $0x0  }
0x195: {  	[sflag:s31] =	ssyncadd.s32 $0xFFFFFC00  }
0x196: {  	_ =	swait.ge [sflag:s31], $0x400  }
0x197: {  	[sflag:s31] =	ssyncset.done $0x0  }
0x198: {  	[sflag:s31] =	ssyncadd.s32 $0xFFFFFC00  }
0x199: {  	_ =	swait.ge [sflag:s31], $0x400  }
0x19a: {  	[sflag:s31] =	ssyncset.done $0x0  }
0x19b: {  	[sflag:s31] =	ssyncadd.s32 $0xFFFFFC00  }
0x19c: {  	_ =	swait.ge [sflag:s31], $0x400  }
0x19d: {  	[sflag:s31] =	ssyncset.done $0x0  }
0x19e: {  	[sflag:s31] =	ssyncadd.s32 $0xFFFFFC00  }
0x19f: {  	_ =	swait.ge [sflag:s31], $0x400  }
0x1a0: {  	[sflag:s31] =	ssyncset.done $0x0  }
0x1a1: {  	[sflag:s31] =	ssyncadd.s32 $0xFFFFFC00  }
0x1a2: {  	_ =	swait.ge [sflag:s31], $0x400  }
0x1a3: {  	[sflag:s31] =	ssyncset.done $0x0  }
0x1a4: {  	[sflag:s31] =	ssyncadd.s32 $0xFFFFFC00  }
0x1a5: {  	_ =	swait.ge [sflag:s31], $0x400  }
0x1a6: {  	[sflag:s31] =	ssyncset.done $0x0  }
0x1a7: {  	[sflag:s31] =	ssyncadd.s32 $0xFFFFFC00  }
0x1a8: {  	_ =	swait.ge [sflag:s31], $0x400  }
0x1a9: {  	[sflag:s31] =	ssyncset.done $0x0  }
0x1aa: {  	[sflag:s31] =	ssyncadd.s32 $0xFFFFFC00  }
0x1ab: {  	_ =	swait.ge [sflag:s31], $0x400  }
0x1ac: {  	[sflag:s31] =	ssyncset.done $0x0  }
0x1ad: {  	[sflag:s31] =	ssyncadd.s32 $0xFFFFFC00  }
0x1ae: {  	_ =	swait.ge [sflag:s31], $0x400  }
0x1af: {  	[sflag:s31] =	ssyncset.done $0x0  }
0x1b0: {  	[sflag:s31] =	ssyncadd.s32 $0xFFFFFC00  }
0x1b1: {  	_ =	swait.ge [sflag:s31], $0x400  }
0x1b2: {  	[sflag:s31] =	ssyncset.done $0x0  }
0x1b3: {  	[sflag:s31] =	ssyncadd.s32 $0xFFFFFC00  }
0x1b4: {  	_ =	swait.ge [sflag:s31], $0x400  }
0x1b5: {  	[sflag:s31] =	ssyncset.done $0x0  }
0x1b6: {  	[sflag:s31] =	ssyncadd.s32 $0xFFFFFC00  }
0x1b7: {  	_ =	swait.ge [sflag:s31], $0x400  }
0x1b8: {  	[sflag:s31] =	ssyncset.done $0x0  }
0x1b9: {  	[sflag:s31] =	ssyncadd.s32 $0xFFFFFC00  }
0x1ba: {  	_ =	swait.ge [sflag:s31], $0x400  }
0x1bb: {  	[sflag:s31] =	ssyncset.done $0x0  }
0x1bc: {  	[sflag:s31] =	ssyncadd.s32 $0xFFFFFC00  }
0x1bd: {  	_ =	swait.ge [sflag:s31], $0x400  }
0x1be: {  	[sflag:s31] =	ssyncset.done $0x0  }
0x1bf: {  	[sflag:s31] =	ssyncadd.s32 $0xFFFFFC00  }
0x1c0: {  	_ =	swait.ge [sflag:s31], $0x400  }
0x1c1: {  	[sflag:s31] =	ssyncset.done $0x0  }
0x1c2: {  	p1 =	sne.s32 s6, $0xF00;
	[sflag:s31] =	ssyncadd.s32 $0xFFFFFC00  }
.Ltmp0:
0x1c3: {  	_ =	swait.ge [sflag:s31], $0x400;
	(pc) =	sbr.rel @p1 .LBB2_2-.Ltmp0, $4  }
0x1c4: {  	[sflag:s31] =	ssyncset.done $0x0  }
0x1c5: {  	s17 =	sadd.s32 $0x800, s17;
	[sflag:s31] =	ssyncadd.s32 $0xFFFFFC00  }
0x1c6: {  	s0 =	sadd.s32 $0x800, s0;
	s6 =	sadd.s32 $0x100, s6;
	_ =	swait.ge [sflag:s31], $0x400  }
0x1c7: {  	s1 =	smov.u32 s17;
	s5 =	smov.u32 s0;
	[sflag:s31] =	ssyncset.done $0x0  }
0x1c8: {  	[sflag:s31] =	ssyncadd.s32 $0xFFFFFC00  }
0x1c9: {  	_ =	swait.ge [sflag:s31], $0x400  }
0x1ca: {  	[sflag:s31] =	ssyncset.done $0x0  }
0x1cb: {  	[sflag:s31] =	ssyncadd.s32 $0xFFFFFC00  }
0x1cc: {  	_ =	swait.ge [sflag:s31], $0x400  }
0x1cd: {  	[sflag:s31] =	ssyncset.done $0x0  }
0x1ce: {  	[sflag:s31] =	ssyncadd.s32 $0xFFFFFC00  }
0x1cf: {  	_ =	swait.ge [sflag:s31], $0x400  }
0x1d0: {  	[sflag:s31] =	ssyncset.done $0x0  }
0x1d1: {  	[sflag:s31] =	ssyncadd.s32 $0xFFFFFC00  }
0x1d2: {  	_ =	swait.ge [sflag:s31], $0x400  }
0x1d3: {  	s0 =	simm.s32 $0x0;
	[sflag:s31] =	ssyncset.done $0x0  }
0x1d4: {  	s2 =	simm.s32 $0x1000;
	s26 =	simm.s32 $0x2;
	[sflag:s31] =	ssyncadd.s32 $0xFFFFFC00  }
0x1d5: {  	[hbm4b:s1+s0] =	stream.linear.scatter [tilespmem:s2], [sflag:$0x2], $0x4000, $0x38;
	[tilespmem:$0x15390] =	vst v63  }
0x1d6: {  	_ =	swait.ge [sflag:s26], $0x4000  }
0x1d7: {  	[sflag:s26] =	ssyncset.done $0x0  }
0x1d8: {  	s28 =	simm.s32 $0x5000;
	[sflag:s26] =	ssyncadd.s32 $0xFFFFC000  }
0x1d9: {  	[hbm4b:s5+s0] =	stream.linear.scatter [tilespmem:s28], [sflag:$0x2], $0x4000, $0x38;
	[tilespmem:$0x15390] =	vst v63  }
0x1da: {  	_ =	swait.ge [sflag:s26], $0x4000  }
0x1db: {  	s29 =	sld [smem:$0x7E2]  }
0x1dc: {  	s30 =	sld [smem:$0x7EE];
	_ =	sdelay $0x1  }
0x1dd: {  	s1 =	sadd.s32 $0x1, s29  }
0x1de: {  	p1 =	sne.s32 s1, s30  }
.Ltmp1:
0x1df: {  	_ = 	snop;
	(pc) =	sbr.rel @p1 .LBB2_1-.Ltmp1, $3  }
0x1e0: {  	_ =	sdelay $0x1  }
0x1e1: {  	[sflag:s26] =	ssyncset.done $0x0  }
0x1e2: {  	s7 =	simm.s32 $0x800;
	[sflag:s26] =	ssyncadd.s32 $0xFFFFC000  }
0x1e3: {  	_ =	sfence.sel $0x180000  }
0x1e4: {  	[bflag:$0x0] =	sbarrier.arrive $0xFFFF  }
0x1e5: {  	_ =	strace $0x90000047  }
0x1e6: {  	[bflag:$0x2] =	sbarrier.arrive $0xFFFF  }
0x1e7: {  	s0 =	rddreg [dreg:$0x5]  }
0x1e8: {  	s0 =	sadd.s32 @!p0 $0x100000, s0  }
0x1e9: {  	[sflag:s0] =	ssyncadd.tile.s32 @!p0 $0x1;
	_ =	shalt  }
.Lfunc_end2:
_tile_overlayer_lowered:
.L_overlay_start_2:
0x1ea: {  	(tag) =	ssettag $0x2  }
0x1eb: {  	s0 =	rddreg [dreg:$0x0];
	s2 =	stileid.u32  }
0x1ec: {  	s1 =	rddreg [dreg:$0x1];
	p0 =	sne.s32 s2, $0x0  }
0x1ed: {  	s3 =	rddreg [dreg:$0x2];
	[bflag:$0x3] =	sbarrier.arrive $0xFFFF;
	s2 =	simm.s32 @!p0 $0x1C02  }
0x1ee: {  	[timem:s3], [sflag:s2] =	dma.local @!p0 [hbm:s0], s1  }
0x1ef: {  	s0 =	simm.s32 @!p0 $0x2  }
0x1f0: {  	_ =	swait.ge @!p0 [sflag:s0], s1  }
0x1f1: {  	s1 =	ssub.s32 @!p0 $0x0, s1;
	[sflag:s0] =	ssyncset.done @!p0 $0x0  }
0x1f2: {  	[sflag:s0] =	ssyncadd.s32 @!p0 s1  }
0x1f3: {  	[bflag:$0x3] =	sbarrier.arrive $0xFFFF  }
0x1f4: {  	_ =	shalt  }

</sc_bundles>
